<compile_context>
chip_gen: v7x
topology: tpu7x:2x2x1
jax: 0.10.2.dev20260603
libtpu: 0.0.44.dev20260713+nightly
codegen_flags: <defaults>
</compile_context>

<pallas_src>
import functools

import jax
import jax.numpy as jnp
from jax import lax
from jax.experimental import pallas as pl
from jax.experimental.pallas import tpu as pltpu
from jax.experimental.pallas import tpu_sc as plsc
from jax._src.pallas import mpmd as _mpmd

EPS = 1e-8

NC = 2
NS = 16
NW = NC * NS
LANES = 16

IDX_CHUNK = 4096
DMA_CHUNK = 128



def _norm_flat_body(xt_ref, o_ref):
    xt = xt_ref[...]
    d, cols = xt.shape
    ss = jnp.sum(xt * xt, axis=0)
    y = xt * lax.rsqrt(jnp.maximum(ss, EPS * EPS))[None, :]
    rows = y.T
    o_ref[...] = jnp.concatenate([rows, rows], axis=-1)


def _normalize_to_flat(xt, cols_per_block):
    d, n = xt.shape
    assert n % cols_per_block == 0 and 2 * d == 128
    grid = n // cols_per_block
    return pl.pallas_call(
        _norm_flat_body,
        grid=(grid,),
        in_specs=[pl.BlockSpec((d, cols_per_block), lambda i: (0, i))],
        out_specs=pl.BlockSpec((cols_per_block, 128), lambda i: (i, 0)),
        out_shape=jax.ShapeDtypeStruct((n, 128), xt.dtype),
    )(xt)


def _featmajor_body(x_ref, o_ref):
    x128 = x_ref[...]
    n4, cb, _, _ = o_ref.shape
    d = n4 * 8
    eye = jnp.eye(128, dtype=x128.dtype)
    yt = lax.dot_general(eye, x128, (((1,), (1,)), ((), ())),
                         preferred_element_type=jnp.float32)[:d]
    o_ref[...] = yt.reshape(d // 8, 8, cb, 128).transpose(0, 2, 1, 3)


def _to_feature_major(x128, n, d, cols_per_block):
    assert n % cols_per_block == 0 and d % 8 == 0 and cols_per_block % 128 == 0
    grid = n // cols_per_block
    cb = cols_per_block // 128
    return pl.pallas_call(
        _featmajor_body,
        grid=(grid,),
        in_specs=[pl.BlockSpec((cols_per_block, 128), lambda i: (i, 0))],
        out_specs=pl.BlockSpec((d // 8, cb, 8, 128), lambda i: (0, i, 0, 0)),
        out_shape=jax.ShapeDtypeStruct((d // 8, n // 128, 8, 128),
                                       x128.dtype),
    )(x128)


def _normalize_from_t(xt, cols_per_block):
    return _normalize_to_flat(xt, cols_per_block)



def _sc_body(rows_per_w, b_total, m_rows, d_feat,
             idx_hbm, nval_hbm, base_hbm, out_hbm,
             idx_v, stamp, rlist, jlist, rbbuf, jbuf, rowbuf, sem, sem2):
    del base_hbm
    wid = lax.axis_index("c") * NS + lax.axis_index("s")
    r0 = wid * rows_per_w

    iota = lax.iota(jnp.int32, LANES)
    rotk = (iota + LANES - 1) & (LANES - 1)
    neg1 = jnp.full((LANES,), -1, jnp.int32)
    sentinel = jnp.full((LANES,), 0xFFFFFFFF, jnp.uint32)

    def init_body(g, _):
        stamp[pl.ds(g * LANES, LANES)] = neg1
        return 0
    lax.fori_loop(0, rows_per_w // LANES, init_body, 0)

    n_chunks = b_total // IDX_CHUNK

    def chunk_body(ci, _):
        pltpu.sync_copy(idx_hbm.at[pl.ds(ci * IDX_CHUNK, IDX_CHUNK)], idx_v)

        def grp_body(g, _):
            iv = idx_v[pl.ds(g * LANES, LANES)]
            jv = ci * IDX_CHUNK + g * LANES + iota
            local = iv - r0
            m = (local >= 0) & (local < rows_per_w)
            cnt = plsc.all_reduce_population_count(m)[0]

            @pl.when(cnt > 0)
            def _():
                key = (local.astype(jnp.uint32) << 16) | jv.astype(jnp.uint32)
                key = jnp.where(m, key, sentinel)
                skey, _sv = plsc.sort_key_val(key, jv)
                _rk, snext = plsc.sort_key_val(rotk, skey)
                svalid = skey != sentinel
                slocal = (skey >> 16).astype(jnp.int32)
                sj = (skey & 0xFFFF).astype(jnp.int32)
                keep = svalid & (((skey >> 16) != (snext >> 16))
                                 | (iota == LANES - 1))
                plsc.store_scatter(stamp, [slocal], sj, mask=keep)
            return 0

        lax.fori_loop(0, IDX_CHUNK // LANES, grp_body, 0)
        return 0

    lax.fori_loop(0, n_chunks, chunk_body, 0)

    def compact_body(g, cnt):
        s = stamp[pl.ds(g * LANES, LANES)]
        m = s >= 0
        c = plsc.all_reduce_population_count(m)[0]

        @pl.when(c > 0)
        def _():
            plsc.store_compressed(rlist.at[pl.ds(cnt, LANES)],
                                  r0 + g * LANES + iota, mask=m)
            plsc.store_compressed(jlist.at[pl.ds(cnt, LANES)], s, mask=m)
        return cnt + c

    total = lax.fori_loop(0, rows_per_w // LANES, compact_body, 0)

    del d_feat
    @pl.when(total > 0)
    def _():
        rfill = jnp.full((LANES,), rlist[pl.ds(0, LANES)][0], jnp.int32)
        jfill = jnp.full((LANES,), jlist[pl.ds(0, LANES)][0], jnp.int32)
        n_pad = DMA_CHUNK // LANES

        def pad_body(k, _):
            rlist[pl.ds(total + k * LANES, LANES)] = rfill
            jlist[pl.ds(total + k * LANES, LANES)] = jfill
            return 0
        lax.fori_loop(0, n_pad, pad_body, 0)

        n_dma = (total + DMA_CHUNK - 1) // DMA_CHUNK

        def dma_body(ch, _):
            off = ch * DMA_CHUNK

            def cp_body(k, _):
                rbbuf[pl.ds(k * LANES, LANES)] = rlist[pl.ds(off + k * LANES, LANES)]
                jbuf[pl.ds(k * LANES, LANES)] = jlist[pl.ds(off + k * LANES, LANES)]
                return 0
            lax.fori_loop(0, DMA_CHUNK // LANES, cp_body, 0)

            pltpu.async_copy(nval_hbm.at[jbuf], rowbuf, sem).wait()
            pltpu.async_copy(rowbuf, out_hbm.at[rbbuf], sem2).wait()
            return 0

        lax.fori_loop(0, n_dma, dma_body, 0)


def _sc_scatter(idx, nval, base, m_rows, d):
    b_total = idx.shape[0]
    rows_per_w = m_rows // NW
    mesh = plsc.VectorSubcoreMesh(core_axis_name="c", subcore_axis_name="s",
                                  num_cores=NC, num_subcores=NS)
    k = _mpmd._mpmd_map(
        [(mesh, functools.partial(_sc_body, rows_per_w, b_total, m_rows, d))],
        jax.ShapeDtypeStruct((m_rows, 128), jnp.float32),
        input_output_aliases={2: 0},
        compiler_params=pltpu.CompilerParams(needs_layout_passes=False,
                                             use_tc_tiling_on_sc=False),
        scratch_types=[
            pltpu.VMEM((IDX_CHUNK,), jnp.int32),
            pltpu.VMEM((rows_per_w,), jnp.int32),
            pltpu.VMEM((rows_per_w + DMA_CHUNK,), jnp.int32),
            pltpu.VMEM((rows_per_w + DMA_CHUNK,), jnp.int32),
            pltpu.VMEM((DMA_CHUNK,), jnp.int32),
            pltpu.VMEM((DMA_CHUNK,), jnp.int32),
            pltpu.VMEM((DMA_CHUNK, 128), jnp.float32),
            pltpu.SemaphoreType.DMA,
            pltpu.SemaphoreType.DMA,
        ],
    )
    return k(idx, nval, base)


def kernel(mem, idx, val):
    m_rows, d = mem.shape
    cols_blk = 8192 if m_rows % 8192 == 0 else m_rows
    vcols_blk = 8192 if val.shape[0] % 8192 == 0 else val.shape[0]
    base = _normalize_to_flat(mem.T, cols_blk)
    nval = _normalize_from_t(val.T, vcols_blk)
    res = _sc_scatter(idx.astype(jnp.int32), nval, base, m_rows, d)
    res4 = _to_feature_major(res, m_rows, d, cols_blk)
    return res4.transpose(1, 3, 0, 2).reshape(m_rows, d)

# --- scband reference (transcript-rebuilt; emitter-appended) ---
"""Pipeline reference for scband-cognitive-state-8392366096519 (READ-ONLY COPY).

The authoritative reference and input builder live on the scoring server;
editing this copy changes nothing except your own understanding.
"""

import jax, jax.numpy as jnp
import numpy as np

EPSILON = 1e-8

M = 1048576
D = 64
B = 65536

def setup_inputs(seed: int = 0) -> dict:
    key = jax.random.key(seed)
    k1, k2, k3 = jax.random.split(key, 3)
    mem = jax.random.normal(k1, (M, D), dtype=jnp.float32)
    val = jax.random.normal(k2, (B, D), dtype=jnp.float32)
    idx = jax.random.randint(k3, (B,), 0, M)
    return {"mem": mem, "idx": idx, "val": val}

def reference(mem, idx, val):
    # Batched belief-slot write (scatter-overwrite into the persistent belief memory),
    # followed by the CognitiveState accessors get_belief_radii / get_belief_angles.
    new_mem = mem.at[idx].set(val)
    radii = jnp.linalg.norm(new_mem, axis=-1, keepdims=True)
    angles = new_mem / jnp.maximum(radii, EPSILON)
    return angles

if __name__ == "__main__":
    import jax
    _d = setup_inputs()
    print(jax.jit(kernel)(*tuple(_d.values())))

</pallas_src>

<mosaic_0001>
#map = affine_map<(d0, d1) -> (0)>
#map1 = affine_map<(d0, d1) -> (0, 0)>
module attributes {stable_mosaic.version = 14 : i64} {
  func.func @_sc_body(%arg0: i32, %arg1: i32, %arg2: memref<65536xi32, #tpu.memory_space<hbm>>, %arg3: memref<65536x128xf32, #tpu.memory_space<hbm>>, %arg4: memref<1048576x128xf32, #tpu.memory_space<hbm>>, %arg5: memref<1048576x128xf32, #tpu.memory_space<hbm>>, %arg6: memref<4096xi32, #tpu.memory_space<vmem>>, %arg7: memref<32768xi32, #tpu.memory_space<vmem>>, %arg8: memref<32896xi32, #tpu.memory_space<vmem>>, %arg9: memref<32896xi32, #tpu.memory_space<vmem>>, %arg10: memref<128xi32, #tpu.memory_space<vmem>>, %arg11: memref<128xi32, #tpu.memory_space<vmem>>, %arg12: memref<128x128xf32, #tpu.memory_space<vmem>>, %arg13: memref<!tpu.dma_semaphore, #tpu.memory_space<semaphore_mem>>, %arg14: memref<!tpu.dma_semaphore, #tpu.memory_space<semaphore_mem>>) attributes {dimension_semantics = [#tpu.dimension_semantics<core_parallel>, #tpu.dimension_semantics<subcore_parallel>], iteration_bounds = array<i64: 2, 16>, scalar_prefetch = 0 : i64, scratch_operands = 9 : i64, tpu.core_type = #tpu.core_type<sc_vector_subcore>, window_params = [{transform_indices = #map}, {transform_indices = #map1}, {transform_indices = #map1}, {transform_indices = #map1}]} {
    %mul3A = arith.constant 16 : i32
    %mul3A_0 = arith.muli %arg0, %mul3A : i32
    %add3A = arith.addi %mul3A_0, %arg1 : i32
    %mul3A_1 = arith.constant 32768 : i32
    %mul3A_2 = arith.muli %add3A, %mul3A_1 : i32
    %iota3A = tpu.iota {dimensions = array<i32: 0>} : vector<16xi32>
    %add3A_3 = arith.constant 16 : i32
    %add3A_4 = vector.broadcast %add3A_3 : i32 to vector<16xi32>
    %add3A_5 = arith.addi %iota3A, %add3A_4 : vector<16xi32>
    %sub3A = arith.constant 1 : i32
    %sub3A_6 = vector.broadcast %sub3A : i32 to vector<16xi32>
    %sub3A_7 = arith.subi %add3A_5, %sub3A_6 : vector<16xi32>
    %and3A = arith.constant 15 : i32
    %and3A_8 = vector.broadcast %and3A : i32 to vector<16xi32>
    %and3A_9 = arith.andi %sub3A_7, %and3A_8 : vector<16xi32>
    %broadcast_in_dim3A = arith.constant -1 : i32
    %broadcast_in_dim3A_10 = vector.broadcast %broadcast_in_dim3A : i32 to vector<16xi32>
    %broadcast_in_dim3A_11 = arith.constant -1 : i32
    %broadcast_in_dim3A_12 = vector.broadcast %broadcast_in_dim3A_11 : i32 to vector<16xi32>
    %scan3A = arith.constant 0 : i32
    %scan3A_13 = arith.constant 0 : i32
    %scan3A_14 = arith.constant 2048 : i32
    %scan3A_15 = arith.addi %scan3A_13, %scan3A_14 : i32
    %scan3A_16 = arith.constant 1 : i32
    %scan3A_17 = scf.for %scan3A_35 = %scan3A_13 to %scan3A_15 step %scan3A_16 iter_args(%scan3A_36 = %scan3A) -> (i32)  : i32 {
      %mul3A_37 = arith.constant 16 : i32
      %mul3A_38 = arith.muli %scan3A_35, %mul3A_37 : i32
      %swap3A = arith.index_cast %mul3A_38 : i32 to index
      %swap3A_39 = tpu.vector_load %arg7[%swap3A] {strides = array<i32>} : memref<32768xi32, #tpu.memory_space<vmem>>, vector<16xi32>,
      tpu.vector_store %arg7[%swap3A], %broadcast_in_dim3A_10 {strides = array<i32>} : memref<32768xi32, #tpu.memory_space<vmem>>, vector<16xi32>,
      %scan3A_40 = arith.constant 0 : i32
      scf.yield %scan3A_40 : i32
    }
    %scan3A_18 = arith.constant 2048 : i32
    %scan3A_19 = arith.constant 0 : i32
    %scan3A_20 = arith.constant 0 : i32
    %scan3A_21 = arith.constant 16 : i32
    %scan3A_22 = arith.addi %scan3A_20, %scan3A_21 : i32
    %scan3A_23 = arith.constant 1 : i32
    %scan3A_24 = scf.for %scan3A_35 = %scan3A_20 to %scan3A_22 step %scan3A_23 iter_args(%scan3A_36 = %scan3A_19) -> (i32)  : i32 {
      %mul3A_37 = arith.constant 4096 : i32
      %mul3A_38 = arith.muli %scan3A_35, %mul3A_37 : i32
      "tpu.region"() ({
        %run_scoped3A = tpu.sem_alloc : memref<!tpu.dma_semaphore, #tpu.memory_space<semaphore_mem>>
        %dma_start3A = tpu.memref_slice %arg2[%mul3A_38] : memref<65536xi32, #tpu.memory_space<hbm>> -> memref<4096xi32, #tpu.memory_space<hbm>>
        %dma_start3A_47 = tpu.memref_slice %arg2[%mul3A_38] : memref<65536xi32, #tpu.memory_space<hbm>> -> memref<4096xi32, #tpu.memory_space<hbm>>
        tpu.enqueue_dma source(%dma_start3A_47 : memref<4096xi32, #tpu.memory_space<hbm>>) target(%arg6 : memref<4096xi32, #tpu.memory_space<vmem>>) target_semaphore(%run_scoped3A : memref<!tpu.dma_semaphore, #tpu.memory_space<semaphore_mem>>)
        %dma_wait3A = tpu.memref_slice %arg2[%mul3A_38] : memref<65536xi32, #tpu.memory_space<hbm>> -> memref<4096xi32, #tpu.memory_space<hbm>>
        %dma_wait3A_48 = tpu.memref_slice %arg2[%mul3A_38] : memref<65536xi32, #tpu.memory_space<hbm>> -> memref<4096xi32, #tpu.memory_space<hbm>>
        tpu.wait_dma2 semaphore(%run_scoped3A : memref<!tpu.dma_semaphore, #tpu.memory_space<semaphore_mem>>) src(%dma_wait3A_48 : memref<4096xi32, #tpu.memory_space<hbm>>) dst(%arg6 : memref<4096xi32, #tpu.memory_space<vmem>>)
        tpu.yield
      }) : () -> ()
      %scan3A_39 = arith.constant 0 : i32
      %scan3A_40 = arith.constant 0 : i32
      %scan3A_41 = arith.constant 256 : i32
      %scan3A_42 = arith.addi %scan3A_40, %scan3A_41 : i32
      %scan3A_43 = arith.constant 1 : i32
      %scan3A_44 = scf.for %scan3A_47 = %scan3A_40 to %scan3A_42 step %scan3A_43 iter_args(%scan3A_48 = %scan3A_39) -> (i32)  : i32 {
        %mul3A_49 = arith.constant 16 : i32
        %mul3A_50 = arith.muli %scan3A_47, %mul3A_49 : i32
        %get3A = arith.index_cast %mul3A_50 : i32 to index
        %get3A_51 = tpu.vector_load %arg6[%get3A] {strides = array<i32>} : memref<4096xi32, #tpu.memory_space<vmem>>, vector<16xi32>,
        %mul3A_52 = arith.constant 4096 : i32
        %mul3A_53 = arith.muli %scan3A_35, %mul3A_52 : i32
        %mul3A_54 = arith.constant 16 : i32
        %mul3A_55 = arith.muli %scan3A_47, %mul3A_54 : i32
        %add3A_56 = arith.addi %mul3A_53, %mul3A_55 : i32
        %add3A_57 = vector.broadcast %add3A_56 : i32 to vector<16xi32>
        %add3A_58 = arith.addi %add3A_57, %iota3A : vector<16xi32>
        %sub3A_59 = vector.broadcast %mul3A_2 : i32 to vector<16xi32>
        %sub3A_60 = arith.subi %get3A_51, %sub3A_59 : vector<16xi32>
        %ge3A = arith.constant 0 : i32
        %ge3A_61 = vector.broadcast %ge3A : i32 to vector<16xi32>
        %ge3A_62 = arith.cmpi sge, %sub3A_60, %ge3A_61 : vector<16xi32>
        %lt3A = arith.constant 32768 : i32
        %lt3A_63 = vector.broadcast %lt3A : i32 to vector<16xi32>
        %lt3A_64 = arith.cmpi slt, %sub3A_60, %lt3A_63 : vector<16xi32>
        %and3A_65 = arith.andi %ge3A_62, %lt3A_64 : vector<16xi1>
        %all_reduce_population_count3A = tpu.all_reduce %and3A_65 {dim = 0 : i64, kind = #tpu.reduction_kind<sum>} : vector<16xi1> -> vector<16xi32>
        %slice3A = vector.extract_strided_slice %all_reduce_population_count3A {offsets = [0], sizes = [1], strides = [1]} : vector<16xi32> to vector<1xi32>
        %squeeze3A = vector.extract %slice3A[0] : i32 from vector<1xi32>
        %gt3A_66 = arith.constant 0 : i32
        %gt3A_67 = arith.cmpi sgt, %squeeze3A, %gt3A_66 : i32
        %convert_element_type3A_68 = arith.extui %gt3A_67 : i1 to i32
        %cond3A_69 = arith.constant 0 : i32
        %cond3A_70 = arith.cmpi ne, %convert_element_type3A_68, %cond3A_69 : i32
        scf.if %cond3A_70 {
          %shift_left3A = arith.constant 16 : i32
          %shift_left3A_72 = vector.broadcast %shift_left3A : i32 to vector<16xi32>
          %shift_left3A_73 = arith.shli %sub3A_60, %shift_left3A_72 : vector<16xi32>
          %or3A = arith.ori %shift_left3A_73, %add3A_58 : vector<16xi32>
          %select_n3A = arith.select %and3A_65, %or3A, %broadcast_in_dim3A_12 : vector<16xi1>, vector<16xi32>
          %masked_sort3A = arith.constant dense<true> : vector<16xi1>
          %masked_sort3A_74, %masked_sort3A_75, %masked_sort3A_76 = tpu.sort %select_n3A, %add3A_58 masked %masked_sort3A : (vector<16xi32>, vector<16xi32>, vector<16xi1>) -> (vector<16xi1>, vector<16xi32>, vector<16xi32>)
          %masked_sort3A_77 = arith.constant dense<true> : vector<16xi1>
          %masked_sort3A_78 = arith.constant -2147483648 : i32
          %masked_sort3A_79 = vector.broadcast %masked_sort3A_78 : i32 to vector<16xi32>
          %masked_sort3A_80 = arith.xori %and3A_9, %masked_sort3A_79 : vector<16xi32>
          %masked_sort3A_81, %masked_sort3A_82, %masked_sort3A_83 = tpu.sort %masked_sort3A_80, %masked_sort3A_75 masked %masked_sort3A_77 : (vector<16xi32>, vector<16xi32>, vector<16xi1>) -> (vector<16xi1>, vector<16xi32>, vector<16xi32>)
          %masked_sort3A_84 = arith.xori %masked_sort3A_82, %masked_sort3A_79 : vector<16xi32>
          %ne3A = arith.cmpi ne, %masked_sort3A_75, %broadcast_in_dim3A_12 : vector<16xi32>
          %shift_right_logical3A = arith.constant 16 : i32
          %shift_right_logical3A_85 = vector.broadcast %shift_right_logical3A : i32 to vector<16xi32>
          %shift_right_logical3A_86 = arith.shrui %masked_sort3A_75, %shift_right_logical3A_85 : vector<16xi32>
          %and3A_87 = arith.constant 65535 : i32
          %and3A_88 = vector.broadcast %and3A_87 : i32 to vector<16xi32>
          %and3A_89 = arith.andi %masked_sort3A_75, %and3A_88 : vector<16xi32>
          %shift_right_logical3A_90 = arith.constant 16 : i32
          %shift_right_logical3A_91 = vector.broadcast %shift_right_logical3A_90 : i32 to vector<16xi32>
          %shift_right_logical3A_92 = arith.shrui %masked_sort3A_75, %shift_right_logical3A_91 : vector<16xi32>
          %shift_right_logical3A_93 = arith.constant 16 : i32
          %shift_right_logical3A_94 = vector.broadcast %shift_right_logical3A_93 : i32 to vector<16xi32>
          %shift_right_logical3A_95 = arith.shrui %masked_sort3A_83, %shift_right_logical3A_94 : vector<16xi32>
          %ne3A_96 = arith.cmpi ne, %shift_right_logical3A_92, %shift_right_logical3A_95 : vector<16xi32>
          %eq3A = arith.constant 15 : i32
          %eq3A_97 = vector.broadcast %eq3A : i32 to vector<16xi32>
          %eq3A_98 = arith.cmpi eq, %iota3A, %eq3A_97 : vector<16xi32>
          %or3A_99 = arith.ori %ne3A_96, %eq3A_98 : vector<16xi1>
          %and3A_100 = arith.andi %ne3A, %or3A_99 : vector<16xi1>
          tpu.vector_store_idx %arg7[%shift_right_logical3A_86], %and3A_89 masked %and3A_100 : memref<32768xi32, #tpu.memory_space<vmem>>[vector<16xi32>], vector<16xi32>, vector<16xi1>
        } else {
        }
        %scan3A_71 = arith.constant 0 : i32
        scf.yield %scan3A_71 : i32
      }
      %scan3A_45 = arith.constant 256 : i32
      %scan3A_46 = arith.constant 0 : i32
      scf.yield %scan3A_46 : i32
    }
    %scan3A_25 = arith.constant 16 : i32
    %scan3A_26 = arith.constant 0 : i32
    %scan3A_27 = arith.constant 0 : i32
    %scan3A_28 = arith.constant 2048 : i32
    %scan3A_29 = arith.addi %scan3A_27, %scan3A_28 : i32
    %scan3A_30 = arith.constant 1 : i32
    %scan3A_31 = scf.for %scan3A_35 = %scan3A_27 to %scan3A_29 step %scan3A_30 iter_args(%scan3A_36 = %scan3A_26) -> (i32)  : i32 {
      %mul3A_37 = arith.constant 16 : i32
      %mul3A_38 = arith.muli %scan3A_35, %mul3A_37 : i32
      %get3A = arith.index_cast %mul3A_38 : i32 to index
      %get3A_39 = tpu.vector_load %arg7[%get3A] {strides = array<i32>} : memref<32768xi32, #tpu.memory_space<vmem>>, vector<16xi32>,
      %ge3A = arith.constant 0 : i32
      %ge3A_40 = vector.broadcast %ge3A : i32 to vector<16xi32>
      %ge3A_41 = arith.cmpi sge, %get3A_39, %ge3A_40 : vector<16xi32>
      %all_reduce_population_count3A = tpu.all_reduce %ge3A_41 {dim = 0 : i64, kind = #tpu.reduction_kind<sum>} : vector<16xi1> -> vector<16xi32>
      %slice3A = vector.extract_strided_slice %all_reduce_population_count3A {offsets = [0], sizes = [1], strides = [1]} : vector<16xi32> to vector<1xi32>
      %squeeze3A = vector.extract %slice3A[0] : i32 from vector<1xi32>
      %gt3A_42 = arith.constant 0 : i32
      %gt3A_43 = arith.cmpi sgt, %squeeze3A, %gt3A_42 : i32
      %convert_element_type3A_44 = arith.extui %gt3A_43 : i1 to i32
      %cond3A_45 = arith.constant 0 : i32
      %cond3A_46 = arith.cmpi ne, %convert_element_type3A_44, %cond3A_45 : i32
      scf.if %cond3A_46 {
        %mul3A_48 = arith.constant 16 : i32
        %mul3A_49 = arith.muli %scan3A_35, %mul3A_48 : i32
        %add3A_50 = arith.addi %mul3A_2, %mul3A_49 : i32
        %add3A_51 = vector.broadcast %add3A_50 : i32 to vector<16xi32>
        %add3A_52 = arith.addi %add3A_51, %iota3A : vector<16xi32>
        %swap3A = arith.index_cast %scan3A_36 : i32 to index
        %swap3A_53 = tpu.vector_load %arg8[%swap3A] masked %ge3A_41 {strides = array<i32>} : memref<32896xi32, #tpu.memory_space<vmem>>, vector<16xi32>, vector<16xi1>
        tpu.vector_store %arg8[%swap3A], %add3A_52 masked %ge3A_41 {strides = array<i32>} : memref<32896xi32, #tpu.memory_space<vmem>>, vector<16xi32>, vector<16xi1>
        %swap3A_54 = arith.index_cast %scan3A_36 : i32 to index
        %swap3A_55 = tpu.vector_load %arg9[%swap3A_54] masked %ge3A_41 {strides = array<i32>} : memref<32896xi32, #tpu.memory_space<vmem>>, vector<16xi32>, vector<16xi1>
        tpu.vector_store %arg9[%swap3A_54], %get3A_39 masked %ge3A_41 {strides = array<i32>} : memref<32896xi32, #tpu.memory_space<vmem>>, vector<16xi32>, vector<16xi1>
      } else {
      }
      %add3A_47 = arith.addi %scan3A_36, %squeeze3A : i32
      scf.yield %add3A_47 : i32
    }
    %scan3A_32 = arith.constant 2048 : i32
    %gt3A = arith.constant 0 : i32
    %gt3A_33 = arith.cmpi sgt, %scan3A_31, %gt3A : i32
    %convert_element_type3A = arith.extui %gt3A_33 : i1 to i32
    %cond3A = arith.constant 0 : i32
    %cond3A_34 = arith.cmpi ne, %convert_element_type3A, %cond3A : i32
    scf.if %cond3A_34 {
      %get3A = arith.constant 0 : index
      %get3A_35 = tpu.vector_load %arg8[%get3A] {strides = array<i32>} : memref<32896xi32, #tpu.memory_space<vmem>>, vector<16xi32>,
      %slice3A = vector.extract_strided_slice %get3A_35 {offsets = [0], sizes = [1], strides = [1]} : vector<16xi32> to vector<1xi32>
      %squeeze3A = vector.extract %slice3A[0] : i32 from vector<1xi32>
      %broadcast_in_dim3A_36 = vector.broadcast %squeeze3A : i32 to vector<16xi32>
      %get3A_37 = arith.constant 0 : index
      %get3A_38 = tpu.vector_load %arg9[%get3A_37] {strides = array<i32>} : memref<32896xi32, #tpu.memory_space<vmem>>, vector<16xi32>,
      %slice3A_39 = vector.extract_strided_slice %get3A_38 {offsets = [0], sizes = [1], strides = [1]} : vector<16xi32> to vector<1xi32>
      %squeeze3A_40 = vector.extract %slice3A_39[0] : i32 from vector<1xi32>
      %broadcast_in_dim3A_41 = vector.broadcast %squeeze3A_40 : i32 to vector<16xi32>
      %scan3A_42 = arith.constant 0 : i32
      %scan3A_43 = arith.constant 0 : i32
      %scan3A_44 = arith.constant 8 : i32
      %scan3A_45 = arith.addi %scan3A_43, %scan3A_44 : i32
      %scan3A_46 = arith.constant 1 : i32
      %scan3A_47 = scf.for %scan3A_82 = %scan3A_43 to %scan3A_45 step %scan3A_46 iter_args(%scan3A_83 = %scan3A_42) -> (i32)  : i32 {
        %mul3A_84 = arith.constant 16 : i32
        %mul3A_85 = arith.muli %scan3A_82, %mul3A_84 : i32
        %add3A_86 = arith.addi %scan3A_31, %mul3A_85 : i32
        %swap3A = arith.index_cast %add3A_86 : i32 to index
        %swap3A_87 = tpu.vector_load %arg8[%swap3A] {strides = array<i32>} : memref<32896xi32, #tpu.memory_space<vmem>>, vector<16xi32>,
        tpu.vector_store %arg8[%swap3A], %broadcast_in_dim3A_36 {strides = array<i32>} : memref<32896xi32, #tpu.memory_space<vmem>>, vector<16xi32>,
        %mul3A_88 = arith.constant 16 : i32
        %mul3A_89 = arith.muli %scan3A_82, %mul3A_88 : i32
        %add3A_90 = arith.addi %scan3A_31, %mul3A_89 : i32
        %swap3A_91 = arith.index_cast %add3A_90 : i32 to index
        %swap3A_92 = tpu.vector_load %arg9[%swap3A_91] {strides = array<i32>} : memref<32896xi32, #tpu.memory_space<vmem>>, vector<16xi32>,
        tpu.vector_store %arg9[%swap3A_91], %broadcast_in_dim3A_41 {strides = array<i32>} : memref<32896xi32, #tpu.memory_space<vmem>>, vector<16xi32>,
        %scan3A_93 = arith.constant 0 : i32
        scf.yield %scan3A_93 : i32
      }
      %scan3A_48 = arith.constant 8 : i32
      %add3A_49 = arith.constant 128 : i32
      %add3A_50 = arith.addi %scan3A_31, %add3A_49 : i32
      %sub3A_51 = arith.constant 1 : i32
      %sub3A_52 = arith.subi %add3A_50, %sub3A_51 : i32
      %jit3A = arith.constant 128 : i32
      %div3A = arith.divsi %sub3A_52, %jit3A : i32
      %sign3A = arith.constant 0 : i32
      %sign3A_53 = arith.cmpi sgt, %sub3A_52, %sign3A : i32
      %sign3A_54 = arith.extui %sign3A_53 : i1 to i32
      %sign3A_55 = arith.constant 0 : i32
      %sign3A_56 = arith.cmpi slt, %sub3A_52, %sign3A_55 : i32
      %sign3A_57 = arith.extui %sign3A_56 : i1 to i32
      %sign3A_58 = arith.subi %sign3A_54, %sign3A_57 : i32
      %sign3A_59 = arith.constant 0 : i32
      %sign3A_60 = arith.cmpi sgt, %jit3A, %sign3A_59 : i32
      %sign3A_61 = arith.extui %sign3A_60 : i1 to i32
      %sign3A_62 = arith.constant 0 : i32
      %sign3A_63 = arith.cmpi slt, %jit3A, %sign3A_62 : i32
      %sign3A_64 = arith.extui %sign3A_63 : i1 to i32
      %sign3A_65 = arith.subi %sign3A_61, %sign3A_64 : i32
      %ne3A = arith.cmpi ne, %sign3A_58, %sign3A_65 : i32
      %rem3A = arith.remsi %sub3A_52, %jit3A : i32
      %ne3A_66 = arith.constant 0 : i32
      %ne3A_67 = arith.cmpi ne, %rem3A, %ne3A_66 : i32
      %and3A_68 = arith.andi %ne3A, %ne3A_67 : i1
      %sub3A_69 = arith.constant 1 : i32
      %sub3A_70 = arith.subi %div3A, %sub3A_69 : i32
      %select_n3A = arith.select %and3A_68, %sub3A_70, %div3A : i32
      %while3A = arith.constant 0 : i32
      %while3A_71 = arith.constant 0 : i32
      %while3A_72 = arith.subi %select_n3A, %while3A : i32
      %while3A_73 = arith.addi %while3A, %while3A_72 : i32
      %while3A_74 = arith.constant 1 : i32
      %while3A_75 = arith.divsi %while3A_72, %while3A_74 : i32
      %while3A_76 = arith.muli %while3A_75, %while3A_74 : i32
      %while3A_77 = arith.addi %while3A, %while3A_76 : i32
      %while3A_78 = arith.constant 1 : i32
      %while3A_79 = scf.for %while3A_82 = %while3A to %while3A_77 step %while3A_78 iter_args(%while3A_83 = %while3A_71) -> (i32)  : i32 {
        %mul3A_84 = arith.constant 128 : i32
        %mul3A_85 = arith.muli %while3A_82, %mul3A_84 : i32
        %scan3A_86 = arith.constant 0 : i32
        %scan3A_87 = arith.constant 0 : i32
        %scan3A_88 = arith.constant 8 : i32
        %scan3A_89 = arith.addi %scan3A_87, %scan3A_88 : i32
        %scan3A_90 = arith.constant 1 : i32
        %scan3A_91 = scf.for %scan3A_104 = %scan3A_87 to %scan3A_89 step %scan3A_90 iter_args(%scan3A_105 = %scan3A_86) -> (i32)  : i32 {
          %mul3A_106 = arith.constant 16 : i32
          %mul3A_107 = arith.muli %scan3A_104, %mul3A_106 : i32
          %add3A_108 = arith.addi %mul3A_85, %mul3A_107 : i32
          %get3A_109 = arith.index_cast %add3A_108 : i32 to index
          %get3A_110 = tpu.vector_load %arg8[%get3A_109] {strides = array<i32>} : memref<32896xi32, #tpu.memory_space<vmem>>, vector<16xi32>,
          %mul3A_111 = arith.constant 16 : i32
          %mul3A_112 = arith.muli %scan3A_104, %mul3A_111 : i32
          %swap3A = arith.index_cast %mul3A_112 : i32 to index
          %swap3A_113 = tpu.vector_load %arg10[%swap3A] {strides = array<i32>} : memref<128xi32, #tpu.memory_space<vmem>>, vector<16xi32>,
          tpu.vector_store %arg10[%swap3A], %get3A_110 {strides = array<i32>} : memref<128xi32, #tpu.memory_space<vmem>>, vector<16xi32>,
          %mul3A_114 = arith.constant 16 : i32
          %mul3A_115 = arith.muli %scan3A_104, %mul3A_114 : i32
          %add3A_116 = arith.addi %mul3A_85, %mul3A_115 : i32
          %get3A_117 = arith.index_cast %add3A_116 : i32 to index
          %get3A_118 = tpu.vector_load %arg9[%get3A_117] {strides = array<i32>} : memref<32896xi32, #tpu.memory_space<vmem>>, vector<16xi32>,
          %mul3A_119 = arith.constant 16 : i32
          %mul3A_120 = arith.muli %scan3A_104, %mul3A_119 : i32
          %swap3A_121 = arith.index_cast %mul3A_120 : i32 to index
          %swap3A_122 = tpu.vector_load %arg11[%swap3A_121] {strides = array<i32>} : memref<128xi32, #tpu.memory_space<vmem>>, vector<16xi32>,
          tpu.vector_store %arg11[%swap3A_121], %get3A_118 {strides = array<i32>} : memref<128xi32, #tpu.memory_space<vmem>>, vector<16xi32>,
          %scan3A_123 = arith.constant 0 : i32
          scf.yield %scan3A_123 : i32
        }
        %scan3A_92 = arith.constant 8 : i32
        %dma_start3A = arith.constant 0 : i32
        %dma_start3A_93 = arith.constant 0 : i32
        %dma_start3A_94 = tpu.memref_slice %arg3[%dma_start3A, %dma_start3A_93] : memref<65536x128xf32, #tpu.memory_space<hbm>> -> memref<65536x128xf32, #tpu.memory_space<hbm>>
        tpu.enqueue_indirect_dma source(%dma_start3A_94 : memref<65536x128xf32, #tpu.memory_space<hbm>>) target(%arg12 : memref<128x128xf32, #tpu.memory_space<vmem>>) offsets(%arg11 : memref<128xi32, #tpu.memory_space<vmem>>) semaphore(%arg13 : memref<!tpu.dma_semaphore, #tpu.memory_space<semaphore_mem>>)
        %dma_wait3A = arith.constant 0 : i32
        %dma_wait3A_95 = arith.constant 0 : i32
        %dma_wait3A_96 = tpu.memref_slice %arg3[%dma_wait3A, %dma_wait3A_95] : memref<65536x128xf32, #tpu.memory_space<hbm>> -> memref<65536x128xf32, #tpu.memory_space<hbm>>
        tpu.wait_indirect_dma semaphore(%arg13 : memref<!tpu.dma_semaphore, #tpu.memory_space<semaphore_mem>>) src(%dma_wait3A_96 : memref<65536x128xf32, #tpu.memory_space<hbm>>) dst(%arg12 : memref<128x128xf32, #tpu.memory_space<vmem>>)
        %dma_start3A_97 = arith.constant 0 : i32
        %dma_start3A_98 = arith.constant 0 : i32
        %dma_start3A_99 = tpu.memref_slice %arg5[%dma_start3A_97, %dma_start3A_98] : memref<1048576x128xf32, #tpu.memory_space<hbm>> -> memref<1048576x128xf32, #tpu.memory_space<hbm>>
        tpu.enqueue_indirect_dma source(%arg12 : memref<128x128xf32, #tpu.memory_space<vmem>>) target(%dma_start3A_99 : memref<1048576x128xf32, #tpu.memory_space<hbm>>) offsets(%arg10 : memref<128xi32, #tpu.memory_space<vmem>>) semaphore(%arg14 : memref<!tpu.dma_semaphore, #tpu.memory_space<semaphore_mem>>)
        %dma_wait3A_100 = arith.constant 0 : i32
        %dma_wait3A_101 = arith.constant 0 : i32
        %dma_wait3A_102 = tpu.memref_slice %arg5[%dma_wait3A_100, %dma_wait3A_101] : memref<1048576x128xf32, #tpu.memory_space<hbm>> -> memref<1048576x128xf32, #tpu.memory_space<hbm>>
        tpu.wait_indirect_dma semaphore(%arg14 : memref<!tpu.dma_semaphore, #tpu.memory_space<semaphore_mem>>) src(%arg12 : memref<128x128xf32, #tpu.memory_space<vmem>>) dst(%dma_wait3A_102 : memref<1048576x128xf32, #tpu.memory_space<hbm>>)
        %while3A_103 = arith.constant 0 : i32
        scf.yield %while3A_103 : i32
      }
      %while3A_80 = arith.constant 1 : i32
      %while3A_81 = scf.for %while3A_82 = %while3A_77 to %while3A_73 step %while3A_80 iter_args(%while3A_83 = %while3A_79) -> (i32)  : i32 {
        %mul3A_84 = arith.constant 128 : i32
        %mul3A_85 = arith.muli %while3A_82, %mul3A_84 : i32
        %scan3A_86 = arith.constant 0 : i32
        %scan3A_87 = arith.constant 0 : i32
        %scan3A_88 = arith.constant 8 : i32
        %scan3A_89 = arith.addi %scan3A_87, %scan3A_88 : i32
        %scan3A_90 = arith.constant 1 : i32
        %scan3A_91 = scf.for %scan3A_104 = %scan3A_87 to %scan3A_89 step %scan3A_90 iter_args(%scan3A_105 = %scan3A_86) -> (i32)  : i32 {
          %mul3A_106 = arith.constant 16 : i32
          %mul3A_107 = arith.muli %scan3A_104, %mul3A_106 : i32
          %add3A_108 = arith.addi %mul3A_85, %mul3A_107 : i32
          %get3A_109 = arith.index_cast %add3A_108 : i32 to index
          %get3A_110 = tpu.vector_load %arg8[%get3A_109] {strides = array<i32>} : memref<32896xi32, #tpu.memory_space<vmem>>, vector<16xi32>,
          %mul3A_111 = arith.constant 16 : i32
          %mul3A_112 = arith.muli %scan3A_104, %mul3A_111 : i32
          %swap3A = arith.index_cast %mul3A_112 : i32 to index
          %swap3A_113 = tpu.vector_load %arg10[%swap3A] {strides = array<i32>} : memref<128xi32, #tpu.memory_space<vmem>>, vector<16xi32>,
          tpu.vector_store %arg10[%swap3A], %get3A_110 {strides = array<i32>} : memref<128xi32, #tpu.memory_space<vmem>>, vector<16xi32>,
          %mul3A_114 = arith.constant 16 : i32
          %mul3A_115 = arith.muli %scan3A_104, %mul3A_114 : i32
          %add3A_116 = arith.addi %mul3A_85, %mul3A_115 : i32
          %get3A_117 = arith.index_cast %add3A_116 : i32 to index
          %get3A_118 = tpu.vector_load %arg9[%get3A_117] {strides = array<i32>} : memref<32896xi32, #tpu.memory_space<vmem>>, vector<16xi32>,
          %mul3A_119 = arith.constant 16 : i32
          %mul3A_120 = arith.muli %scan3A_104, %mul3A_119 : i32
          %swap3A_121 = arith.index_cast %mul3A_120 : i32 to index
          %swap3A_122 = tpu.vector_load %arg11[%swap3A_121] {strides = array<i32>} : memref<128xi32, #tpu.memory_space<vmem>>, vector<16xi32>,
          tpu.vector_store %arg11[%swap3A_121], %get3A_118 {strides = array<i32>} : memref<128xi32, #tpu.memory_space<vmem>>, vector<16xi32>,
          %scan3A_123 = arith.constant 0 : i32
          scf.yield %scan3A_123 : i32
        }
        %scan3A_92 = arith.constant 8 : i32
        %dma_start3A = arith.constant 0 : i32
        %dma_start3A_93 = arith.constant 0 : i32
        %dma_start3A_94 = tpu.memref_slice %arg3[%dma_start3A, %dma_start3A_93] : memref<65536x128xf32, #tpu.memory_space<hbm>> -> memref<65536x128xf32, #tpu.memory_space<hbm>>
        tpu.enqueue_indirect_dma source(%dma_start3A_94 : memref<65536x128xf32, #tpu.memory_space<hbm>>) target(%arg12 : memref<128x128xf32, #tpu.memory_space<vmem>>) offsets(%arg11 : memref<128xi32, #tpu.memory_space<vmem>>) semaphore(%arg13 : memref<!tpu.dma_semaphore, #tpu.memory_space<semaphore_mem>>)
        %dma_wait3A = arith.constant 0 : i32
        %dma_wait3A_95 = arith.constant 0 : i32
        %dma_wait3A_96 = tpu.memref_slice %arg3[%dma_wait3A, %dma_wait3A_95] : memref<65536x128xf32, #tpu.memory_space<hbm>> -> memref<65536x128xf32, #tpu.memory_space<hbm>>
        tpu.wait_indirect_dma semaphore(%arg13 : memref<!tpu.dma_semaphore, #tpu.memory_space<semaphore_mem>>) src(%dma_wait3A_96 : memref<65536x128xf32, #tpu.memory_space<hbm>>) dst(%arg12 : memref<128x128xf32, #tpu.memory_space<vmem>>)
        %dma_start3A_97 = arith.constant 0 : i32
        %dma_start3A_98 = arith.constant 0 : i32
        %dma_start3A_99 = tpu.memref_slice %arg5[%dma_start3A_97, %dma_start3A_98] : memref<1048576x128xf32, #tpu.memory_space<hbm>> -> memref<1048576x128xf32, #tpu.memory_space<hbm>>
        tpu.enqueue_indirect_dma source(%arg12 : memref<128x128xf32, #tpu.memory_space<vmem>>) target(%dma_start3A_99 : memref<1048576x128xf32, #tpu.memory_space<hbm>>) offsets(%arg10 : memref<128xi32, #tpu.memory_space<vmem>>) semaphore(%arg14 : memref<!tpu.dma_semaphore, #tpu.memory_space<semaphore_mem>>)
        %dma_wait3A_100 = arith.constant 0 : i32
        %dma_wait3A_101 = arith.constant 0 : i32
        %dma_wait3A_102 = tpu.memref_slice %arg5[%dma_wait3A_100, %dma_wait3A_101] : memref<1048576x128xf32, #tpu.memory_space<hbm>> -> memref<1048576x128xf32, #tpu.memory_space<hbm>>
        tpu.wait_indirect_dma semaphore(%arg14 : memref<!tpu.dma_semaphore, #tpu.memory_space<semaphore_mem>>) src(%arg12 : memref<128x128xf32, #tpu.memory_space<vmem>>) dst(%dma_wait3A_102 : memref<1048576x128xf32, #tpu.memory_space<hbm>>)
        %while3A_103 = arith.constant 0 : i32
        scf.yield %while3A_103 : i32
      }
    } else {
    }
    return
  }
}

module attributes {stable_mosaic.version = 14 : i64} {
  func.func @_norm_flat_body(%arg0: i32, %arg1: memref<64x8192xf32, #tpu.memory_space<vmem>>, %arg2: memref<8192x128xf32, #tpu.memory_space<vmem>>) attributes {dimension_semantics = [#tpu.dimension_semantics<arbitrary>], iteration_bounds = array<i64: 8>, scalar_prefetch = 0 : i64, scratch_operands = 0 : i64, tpu.core_type = #tpu.core_type<tc>, window_params = [{transform_indices = @transform_0, window_bounds = array<i64: 64, 8192>}, {transform_indices = @transform_1, window_bounds = array<i64: 8192, 128>}]} {
    %get3A = arith.constant 0 : index
    %get3A_0 = arith.constant 0 : index
    %get3A_1 = vector.load %arg1[%get3A, %get3A_0] : memref<64x8192xf32, #tpu.memory_space<vmem>>, vector<64x8192xf32>
    %mul3A = arith.mulf %get3A_1, %get3A_1 : vector<64x8192xf32>
    %reduce_sum3A = arith.constant dense<0.000000e+00> : vector<8192xf32>
    %reduce_sum3A_2 = vector.multi_reduction <add>, %mul3A, %reduce_sum3A [0] : vector<64x8192xf32> to vector<8192xf32>
    %max3A = arith.constant 1.000000e-16 : f32
    %max3A_3 = vector.broadcast %max3A : f32 to vector<8192xf32>
    %max3A_4 = arith.maximumf %reduce_sum3A_2, %max3A_3 : vector<8192xf32>
    %rsqrt3A = math.rsqrt %max3A_4 : vector<8192xf32>
    %broadcast_in_dim3A = vector.shape_cast %rsqrt3A : vector<8192xf32> to vector<1x8192xf32>
    %mul3A_5 = vector.broadcast %broadcast_in_dim3A : vector<1x8192xf32> to vector<64x8192xf32>
    %mul3A_6 = arith.mulf %get3A_1, %mul3A_5 : vector<64x8192xf32>
    %transpose3A = tpu.transpose %mul3A_6, [1, 0] : vector<64x8192xf32> -> vector<8192x64xf32>
    %concatenate3A = tpu.concatenate %transpose3A, %transpose3A in 1 : vector<8192x64xf32>, vector<8192x64xf32> -> vector<8192x128xf32>
    %swap3A = arith.constant 0 : index
    %swap3A_7 = arith.constant 0 : index
    %swap3A_8 = vector.load %arg2[%swap3A, %swap3A_7] : memref<8192x128xf32, #tpu.memory_space<vmem>>, vector<8192x128xf32>
    tpu.vector_store %arg2[%swap3A, %swap3A_7], %concatenate3A {strides = array<i32>} : memref<8192x128xf32, #tpu.memory_space<vmem>>, vector<8192x128xf32>,
    return
  }
  func.func @transform_0(%arg0: i32) -> (i32, i32) {
    %c0_i32 = arith.constant 0 : i32
    %c0_i32_0 = arith.constant 0 : i32
    return %c0_i32, %arg0 : i32, i32
  }
  func.func @transform_1(%arg0: i32) -> (i32, i32) {
    %c0_i32 = arith.constant 0 : i32
    %c0_i32_0 = arith.constant 0 : i32
    return %arg0, %c0_i32 : i32, i32
  }
}

module attributes {stable_mosaic.version = 14 : i64} {
  func.func @_norm_flat_body(%arg0: i32, %arg1: memref<64x8192xf32, #tpu.memory_space<vmem>>, %arg2: memref<8192x128xf32, #tpu.memory_space<vmem>>) attributes {dimension_semantics = [#tpu.dimension_semantics<arbitrary>], iteration_bounds = array<i64: 128>, scalar_prefetch = 0 : i64, scratch_operands = 0 : i64, tpu.core_type = #tpu.core_type<tc>, window_params = [{transform_indices = @transform_0, window_bounds = array<i64: 64, 8192>}, {transform_indices = @transform_1, window_bounds = array<i64: 8192, 128>}]} {
    %get3A = arith.constant 0 : index
    %get3A_0 = arith.constant 0 : index
    %get3A_1 = vector.load %arg1[%get3A, %get3A_0] : memref<64x8192xf32, #tpu.memory_space<vmem>>, vector<64x8192xf32>
    %mul3A = arith.mulf %get3A_1, %get3A_1 : vector<64x8192xf32>
    %reduce_sum3A = arith.constant dense<0.000000e+00> : vector<8192xf32>
    %reduce_sum3A_2 = vector.multi_reduction <add>, %mul3A, %reduce_sum3A [0] : vector<64x8192xf32> to vector<8192xf32>
    %max3A = arith.constant 1.000000e-16 : f32
    %max3A_3 = vector.broadcast %max3A : f32 to vector<8192xf32>
    %max3A_4 = arith.maximumf %reduce_sum3A_2, %max3A_3 : vector<8192xf32>
    %rsqrt3A = math.rsqrt %max3A_4 : vector<8192xf32>
    %broadcast_in_dim3A = vector.shape_cast %rsqrt3A : vector<8192xf32> to vector<1x8192xf32>
    %mul3A_5 = vector.broadcast %broadcast_in_dim3A : vector<1x8192xf32> to vector<64x8192xf32>
    %mul3A_6 = arith.mulf %get3A_1, %mul3A_5 : vector<64x8192xf32>
    %transpose3A = tpu.transpose %mul3A_6, [1, 0] : vector<64x8192xf32> -> vector<8192x64xf32>
    %concatenate3A = tpu.concatenate %transpose3A, %transpose3A in 1 : vector<8192x64xf32>, vector<8192x64xf32> -> vector<8192x128xf32>
    %swap3A = arith.constant 0 : index
    %swap3A_7 = arith.constant 0 : index
    %swap3A_8 = vector.load %arg2[%swap3A, %swap3A_7] : memref<8192x128xf32, #tpu.memory_space<vmem>>, vector<8192x128xf32>
    tpu.vector_store %arg2[%swap3A, %swap3A_7], %concatenate3A {strides = array<i32>} : memref<8192x128xf32, #tpu.memory_space<vmem>>, vector<8192x128xf32>,
    return
  }
  func.func @transform_0(%arg0: i32) -> (i32, i32) {
    %c0_i32 = arith.constant 0 : i32
    %c0_i32_0 = arith.constant 0 : i32
    return %c0_i32, %arg0 : i32, i32
  }
  func.func @transform_1(%arg0: i32) -> (i32, i32) {
    %c0_i32 = arith.constant 0 : i32
    %c0_i32_0 = arith.constant 0 : i32
    return %arg0, %c0_i32 : i32, i32
  }
}

module attributes {stable_mosaic.version = 14 : i64} {
  func.func @_featmajor_body(%arg0: i32, %arg1: memref<8192x128xf32, #tpu.memory_space<vmem>>, %arg2: memref<8x64x8x128xf32, #tpu.memory_space<vmem>>) attributes {dimension_semantics = [#tpu.dimension_semantics<arbitrary>], iteration_bounds = array<i64: 128>, scalar_prefetch = 0 : i64, scratch_operands = 0 : i64, tpu.core_type = #tpu.core_type<tc>, window_params = [{transform_indices = @transform_0, window_bounds = array<i64: 8192, 128>}, {transform_indices = @transform_1, window_bounds = array<i64: 8, 64, 8, 128>}]} {
    %get3A = arith.constant 0 : index
    %get3A_0 = arith.constant 0 : index
    %get3A_1 = vector.load %arg1[%get3A, %get3A_0] : memref<8192x128xf32, #tpu.memory_space<vmem>>, vector<8192x128xf32>
    %iota3A = tpu.iota {dimensions = array<i32: 0>} : vector<128x128xi32>
    %iota3A_2 = tpu.iota {dimensions = array<i32: 1>} : vector<128x128xi32>
    %add3A = arith.constant 0 : i32
    %add3A_3 = vector.broadcast %add3A : i32 to vector<128x128xi32>
    %add3A_4 = arith.addi %iota3A, %add3A_3 : vector<128x128xi32>
    %eq3A = arith.cmpi eq, %add3A_4, %iota3A_2 : vector<128x128xi32>
    %convert_element_type3A = arith.extui %eq3A : vector<128x128xi1> to vector<128x128xi32>
    %convert_element_type3A_5 = arith.sitofp %convert_element_type3A : vector<128x128xi32> to vector<128x128xf32>
    %dot_general3A = arith.constant dense<0.000000e+00> : vector<128x8192xf32>
    %dot_general3A_6 = tpu.matmul %convert_element_type3A_5, %get3A_1, %dot_general3A {dimension_numbers = #tpu.dot_dimension_numbers<[1], [1], [0], [0], [0, 0, 1, 0], [], []>, transpose_lhs_hint = false} : vector<128x128xf32>, vector<8192x128xf32>, vector<128x8192xf32> -> vector<128x8192xf32>
    %slice3A = vector.extract_strided_slice %dot_general3A_6 {offsets = [0, 0], sizes = [64, 8192], strides = [1, 1]} : vector<128x8192xf32> to vector<64x8192xf32>
    %reshape3A = vector.shape_cast %slice3A : vector<64x8192xf32> to vector<8x8x64x128xf32>
    %transpose3A = tpu.transpose %reshape3A, [0, 2, 1, 3] : vector<8x8x64x128xf32> -> vector<8x64x8x128xf32>
    %swap3A = arith.constant 0 : index
    %swap3A_7 = arith.constant 0 : index
    %swap3A_8 = arith.constant 0 : index
    %swap3A_9 = arith.constant 0 : index
    %swap3A_10 = vector.load %arg2[%swap3A, %swap3A_7, %swap3A_8, %swap3A_9] : memref<8x64x8x128xf32, #tpu.memory_space<vmem>>, vector<8x64x8x128xf32>
    tpu.vector_store %arg2[%swap3A, %swap3A_7, %swap3A_8, %swap3A_9], %transpose3A {strides = array<i32>} : memref<8x64x8x128xf32, #tpu.memory_space<vmem>>, vector<8x64x8x128xf32>,
    return
  }
  func.func @transform_0(%arg0: i32) -> (i32, i32) {
    %c0_i32 = arith.constant 0 : i32
    %c0_i32_0 = arith.constant 0 : i32
    return %arg0, %c0_i32 : i32, i32
  }
  func.func @transform_1(%arg0: i32) -> (i32, i32, i32, i32) {
    %c0_i32 = arith.constant 0 : i32
    %c0_i32_0 = arith.constant 0 : i32
    %c0_i32_1 = arith.constant 0 : i32
    %c0_i32_2 = arith.constant 0 : i32
    return %c0_i32, %arg0, %c0_i32_0, %c0_i32_1 : i32, i32, i32, i32
  }
}

</mosaic_0001>

<sc_bundles>
// kernel: kernel.6.cloned.1.call-start
scs
__scs_entry_jumppad:
0x0: {  	(pc) =	sbr.rel $0x88, $3  }
0x1: {  	(tag) =	ssettag $0x0;
	lr =	simm.s32 $0x1  }
0x2: {  	[smem:$0x3F9E] =	sst lr;
	_ =	strace $0xD0000000  }
0x3: {  	_ = 	snop  }
0x4: {  	_ = 	snop  }
0x5: {  	_ = 	snop  }
0x6: {  	_ = 	snop  }
0x7: {  	_ = 	snop  }
__scs_overlays_trampoline_lowered:
0x8: {  	[smem:$0x3FAD] =	sst s0  }
0x9: {  	[smem:$0x3FAE] =	sst s1  }
0xa: {  	[smem:$0x3FAF] =	sst s2  }
0xb: {  	[smem:$0x3FB0] =	sst s3  }
0xc: {  	[smem:$0x3FB1] =	sst s4  }
0xd: {  	[smem:$0x3FB2] =	sst s5  }
0xe: {  	[smem:$0x3FB3] =	sst s6  }
0xf: {  	[smem:$0x3FB4] =	sst s7  }
0x10: {  	[smem:$0x3FB5] =	sst s8  }
0x11: {  	[smem:$0x3FB6] =	sst s9;
	s0 =	simm.s32 @!p0 $0x0  }
0x12: {  	s1 =	sld [smem:$0x3F9C];
	s0 =	simm.s32 @p0 $0x1  }
0x13: {  	[smem:$0x3FB7] =	sst s0;
	s0 =	simm.s32 @!p1 $0x0  }
0x14: {  	s2 =	sld [smem:$0x3F9B];
	s0 =	simm.s32 @p1 $0x1  }
0x15: {  	[smem:$0x3FB8] =	sst s0;
	s0 =	simm.s32 @!p2 $0x0  }
0x16: {  	s3 =	sld [smem:$0x3FDB];
	s0 =	simm.s32 @p2 $0x1  }
0x17: {  	s4 =	simm.s32 $0x1BF5;
	[smem:$0x3FBA] =	sst s0  }
0x18: {  	s0 =	sld [smem:$0x3F9D];
	_ =	swait.ge [sflag:s4], $0x0  }
0x19: {  	s7 =	sld [smem:$0x3F9E]  }
0x1a: {  	s8 =	sadd.s32 $0xFFFFE003, lr  }
0x1b: {  	s9 =	sadd.s32 $0xFFFFFEF7, lr;
	s5 =	simm.s32 $0xFFFFFFFF;
	p2 =	slt.u32 s8, $0xFFFFF086  }
0x1c: {  	p1 =	slt.u32 s9, $0xF7A;
	s5 =	simm.s32 @!p2 $0x0  }
0x1d: {  	s5 =	simm.s32 @p1 $0x1;
	p0 =	seq.s32 s7, s2  }
0x1e: {  	s7 =	smul.u32 @!p0 $0xF7A, s2;
	p2 =	seq.s32 @!p0 s5, $0x0  }
0x1f: {  	s9 =	smul.u32 $0xF7A, s1;
	s8 =	simm.s32 @!p0 $0x1BF5;
	p2 =	por !p2, p0  }
0x20: {  	[sflag:s8] =	ssyncset.s32 @!p0 $0xFFFFF086;
	s6 =	sadd.s32 @!p0 s3, s7;
	s7 =	simm.s32 @!p0 $0x108  }
0x21: {  	s3 =	sadd.s32 s3, s9;
	s6 =	sadd.s32 @!p0 $0x88, s6;
	s7 =	simm.s32 @p2 $0x1082  }
0x22: {  	[simem:s7], [sflag:s8] =	dma.local @!p0 [hbm:s6], $0xF7A  }
0x23: {  	s9 =	sor.u32 $0xD0000000, s2;
	s6 =	simm.s32 $0x108;
	_ =	swait.ge @!p0 [sflag:s8], $0x0  }
0x24: {  	s3 =	sadd.s32 $0x88, s3;
	s6 =	simm.s32 @!p1 $0x1082;
	[sflag:s4] =	ssyncset.s32 $0xFFFFF086  }
0x25: {  	[simem:s6], [sflag:s4] =	dma.local [hbm:s3], $0xF7A  }
0x26: {  	[smem:$0x3F9E] =	sst s1;
	(tag) =	ssettag s2;
	_ =	strace s9  }
0x27: {  	s1 =	sld [smem:$0x3FAE]  }
0x28: {  	s2 =	sld [smem:$0x3FAF]  }
0x29: {  	s4 =	sld [smem:$0x3FB1]  }
0x2a: {  	p0 =	seq.s32 s5, $0x0;
	s5 =	sld [smem:$0x3FB2]  }
0x2b: {  	s6 =	sld [smem:$0x3FB3]  }
0x2c: {  	s7 =	sld [smem:$0x3FB4]  }
0x2d: {  	s3 =	simm.s32 $0x108;
	s8 =	sld [smem:$0x3FB5]  }
0x2e: {  	s3 =	simm.s32 @!p0 $0x1082;
	s9 =	sld [smem:$0x3FB6]  }
0x2f: {  	lr =	sadd.s32 s0, s3;
	s0 =	sld [smem:$0x3FAD]  }
0x30: {  	s3 =	sld [smem:$0x3FB0]  }
0x31: {  	[smem:$0x3FB9] =	sst s10  }
0x32: {  	s10 =	sld [smem:$0x3FB7];
	_ =	sdelay $0x3  }
0x33: {  	p0 =	seq.s32 s10, $0x1;
	s10 =	sld [smem:$0x3FB9];
	_ =	sdelay $0x3  }
0x34: {  	[smem:$0x3FB9] =	sst s10  }
0x35: {  	s10 =	sld [smem:$0x3FB8];
	_ =	sdelay $0x3  }
0x36: {  	p1 =	seq.s32 s10, $0x1;
	s10 =	sld [smem:$0x3FB9];
	_ =	sdelay $0x3  }
0x37: {  	[smem:$0x3FB9] =	sst s10  }
0x38: {  	s10 =	sld [smem:$0x3FBA]  }
0x39: {  	_ = 	snop;
	(pc) =	sbr.ind lr, $3  }
0x3a: {  	_ = 	snop  }
0x3b: {  	_ = 	snop  }
0x3c: {  	p2 =	seq.s32 s10, $0x1;
	s10 =	sld [smem:$0x3FB9]  }
0x3d: {  	_ =	shalt  }
0x3e: {  	_ =	shalt  }
0x3f: {  	_ =	shalt  }
0x40: {  	_ =	shalt  }
0x41: {  	_ =	shalt  }
0x42: {  	_ =	shalt  }
0x43: {  	_ =	shalt  }
0x44: {  	_ =	shalt  }
0x45: {  	_ =	shalt  }
0x46: {  	_ =	shalt  }
0x47: {  	_ =	shalt  }
0x48: {  	_ =	shalt  }
0x49: {  	_ =	shalt  }
0x4a: {  	_ =	shalt  }
0x4b: {  	_ =	shalt  }
0x4c: {  	_ =	shalt  }
0x4d: {  	_ =	shalt  }
0x4e: {  	_ =	shalt  }
0x4f: {  	_ =	shalt  }
0x50: {  	_ =	shalt  }
0x51: {  	_ =	shalt  }
0x52: {  	_ =	shalt  }
0x53: {  	_ =	shalt  }
0x54: {  	_ =	shalt  }
0x55: {  	_ =	shalt  }
0x56: {  	_ =	shalt  }
0x57: {  	_ =	shalt  }
0x58: {  	_ =	shalt  }
0x59: {  	_ =	shalt  }
0x5a: {  	_ =	shalt  }
0x5b: {  	_ =	shalt  }
0x5c: {  	_ =	shalt  }
0x5d: {  	_ =	shalt  }
0x5e: {  	_ =	shalt  }
0x5f: {  	_ =	shalt  }
0x60: {  	_ =	shalt  }
0x61: {  	_ =	shalt  }
0x62: {  	_ =	shalt  }
0x63: {  	_ =	shalt  }
0x64: {  	_ =	shalt  }
0x65: {  	_ =	shalt  }
0x66: {  	_ =	shalt  }
0x67: {  	_ =	shalt  }
0x68: {  	_ =	shalt  }
0x69: {  	_ =	shalt  }
0x6a: {  	_ =	shalt  }
0x6b: {  	_ =	shalt  }
0x6c: {  	_ =	shalt  }
0x6d: {  	_ =	shalt  }
0x6e: {  	_ =	shalt  }
0x6f: {  	_ =	shalt  }
0x70: {  	_ =	shalt  }
0x71: {  	_ =	shalt  }
0x72: {  	_ =	shalt  }
0x73: {  	_ =	shalt  }
0x74: {  	_ =	shalt  }
0x75: {  	_ =	shalt  }
0x76: {  	_ =	shalt  }
0x77: {  	_ =	shalt  }
0x78: {  	_ =	shalt  }
0x79: {  	_ =	shalt  }
0x7a: {  	_ =	shalt  }
0x7b: {  	_ =	shalt  }
0x7c: {  	_ =	shalt  }
0x7d: {  	_ =	shalt  }
0x7e: {  	_ =	shalt  }
0x7f: {  	_ =	shalt  }
0x80: {  	_ =	shalt  }
0x81: {  	_ =	shalt  }
0x82: {  	_ =	shalt  }
0x83: {  	_ =	shalt  }
0x84: {  	_ =	shalt  }
0x85: {  	_ =	shalt  }
0x86: {  	_ =	shalt  }
0x87: {  	_ =	shalt  }
.Lfunc_end0:
.L_simem_size_0:
called_computation_lowered:
.L_overlay_start_0:
0x88: {  	s2 =	sld [smem:$0x3FD9]  }
0x89: {  	s3 =	sld [smem:$0x3FFE];
	_ =	sdelay $0x1  }
0x8a: {  	s1 =	srdreg.scid  }
0x8b: {  	s0 =	sand.u32 $0x1, s1  }
0x8c: {  	s17 =	sshll.u32 s0, $0xA;
	s2 =	sadd.s32 s3, s2  }
0x8d: {  	s2 =	sadd.s32 s2, s17  }
0x8e: {  	[smem:$0x3FC5] =	sst s2  }
0x8f: {  	_ = 	snop  }
0x90: {  	s2 =	sld [smem:$0x3FC8]  }
0x91: {  	s18 =	sld [smem:$0x3FD0];
	(tm) =	ssettm $0x1  }
0x92: {  	s4 =	sld [smem:$0x3FFB];
	_ =	sdelay $0x3  }
0x93: {  	_ =	strace s4  }
0x94: {  	s4 =	sld [smem:$0x3FFC];
	_ =	sdelay $0x3  }
0x95: {  	_ =	strace s4  }
0x96: {  	s4 =	sld [smem:$0x3FFD];
	_ =	sdelay $0x3  }
0x97: {  	_ =	strace s4  }
0x98: {  	_ =	strace $0x8FFFFFFF  }
0x99: {  	s19 =	sld [smem:$0x3FDB];
	_ =	sdelay $0x1  }
0x9a: {  	s5 =	simm.s32 $_scs_section_size  }
0x9b: {  	s6 =	simm.s32 $_size__tile_overlayer_lowered;
	s7 =	simm.s32 $_tile_overlayer_lowered  }
0x9c: {  	s22 =	simm.s32 $0x1BFF;
	s21 =	sshll.u32 s7, $0x1;
	s4 =	sadd.s32 s5, s19  }
0x9d: {  	s8 =	simm.s32 $0x0;
	s20 =	sshll.u32 s6, $0x1;
	s6 =	sadd.s32 s21, s4  }
0x9e: {  	[timem:s8], [sflag:s22] =	dma.local [hbm:s6], s20  }
0x9f: {  	_ =	swait.ge [sflag:s22], s20  }
0xa0: {  	s5 =	ssub.s32 $0x0, s20;
	[sflag:s22] =	ssyncset.done $0x0  }
0xa1: {  	[sflag:s22] =	ssyncadd.s32 s5;
	_ =	sdelay $0x1  }
0xa2: {  	s23 =	simm.s32 $0x1B8B  }
0xa3: {  	_ =	swait.ge [sflag:s23], $0x1  }
0xa4: {  	[sflag:s23] =	ssyncset.done $0x0  }
0xa5: {  	s25 =	simm.s32 $0x1B8E;
	s24 =	sld [smem:$0x3FFE];
	[sflag:s23] =	ssyncadd.s32 $0xFFFFFFFF  }
0xa6: {  	s26 =	simm.s32 $execute0_lowered;
	[smem:$0x3FD2] =	sst s25  }
0xa7: {  	s6 =	sshll.u32 s26, $0x1;
	_ =	strace $0x80000046;
	[dreg:$0x1] =	wrdreg $0xFFFFFFFF  }
0xa8: {  	s28 =	simm.s32 $_size_execute0_lowered;
	s4 =	sadd.s32 s4, s6;
	[dreg:$0x0] =	wrdreg $0x0  }
0xa9: {  	s6 =	sshll.u32 s28, $0x1;
	[dreg:$0x2] =	wrdreg s4  }
0xaa: {  	[dreg:$0x3] =	wrdreg s6  }
0xab: {  	[dreg:$0x4] =	wrdreg $0xC0  }
0xac: {  	_ =	task [dreg:s8], $0x5FFFF  }
0xad: {  	[dreg:$0x1] =	wrdreg $0xFFFFFFFF  }
0xae: {  	[dreg:$0x0] =	wrdreg $0x60  }
0xaf: {  	[dreg:$0x2] =	wrdreg s2  }
0xb0: {  	[dreg:$0x3] =	wrdreg s18  }
0xb1: {  	[dreg:$0x4] =	wrdreg s24  }
0xb2: {  	[dreg:$0x5] =	wrdreg $0x9  }
0xb3: {  	_ =	task.clear_ibuf [dreg:s8], $0x6FFFF;
	_ =	strace $0x90000046  }
0xb4: {  	s29 =	simm.s32 $0x9;
	_ =	strace $0x80000048  }
0xb5: {  	_ =	swait.ge [sflag:s29], $0x1  }
0xb6: {  	[sflag:s29] =	ssyncadd.s32 $0xFFFFFFFF  }
0xb7: {  	_ =	strace $0x90000048  }
0xb8: {  	_ =	sfence  }
0xb9: {  	s30 =	sld [smem:$0x0];
	_ =	sdelay $0x2  }
0xba: {  	s31 =	sshll.u32 s1, $0xD;
	s1 =	sshrl.u32 s1, $0x2  }
0xbb: {  	s3 =	sand.u32 $0x4000, s31;
	s1 =	sadd.s32 s1, s30  }
0xbc: {  	s0 =	sor.u32 s3, s0;
	s1 =	sshll.u32 s1, $0x11  }
0xbd: {  	s0 =	sor.u32 s1, s0  }
0xbe: {  	s0 =	sadd.s32 $0x8F2B, s0  }
0xbf: {  	[sflag:s0] =	ssyncadd.remote.s32 $0x1  }
0xc0: {  	_ =	sfence.sel $0xFFFF  }
0xc1: {  	[dreg:$0x0] =	wrdreg $0xFFFFFFFF;
	(pc) =	sbr.abs _section_cstart, $3  }
0xc2: {  	[dreg:$0x1] =	wrdreg $0xFFFFFFFF  }
0xc3: {  	_ =	task.clear_ibuf [dreg:s8], $0x2FFFF;
	_ =	strace $0x9FFFFFFF  }
0xc4: {  	(tm) =	ssettm $0x7FFFFFFF  }
0xc5: {  	_ =	shalt  }
tec
execute0_lowered:
.L_overlay_start_1:
0x0: {  	(tag) =	ssettag $0x1  }
0x1: {  	s1 =	rddreg [dreg:$0x0]  }
0x2: {  	s2 =	rddreg [dreg:$0x1]  }
0x3: {  	s4 =	rddreg [dreg:$0x2]  }
0x4: {  	s0 =	rddreg [dreg:$0x3];
	s3 =	simm.s32 $0x0  }
0x5: {  	s5 =	srdreg.scid;
	s9 =	simm.s32 $0x80;
	s10 =	simm.s32 $0x19180  }
0x6: {  	s11 =	simm.s32 $0x19200;
	s12 =	simm.s32 $0x1;
	s13 =	simm.s32 $0x19100  }
.Ltmp0:
0x7: {  	s14 =	simm.s32 $0x2;
	s6 =	sand.u32 $0x1, s5;
	(pc) =	sbr.rel .LBB2_1-.Ltmp0, $4  }
0x8: {  	s5 =	sadd.s32 $0x600, s4;
	s4 =	stileid.u32;
	s7 =	ssub.s32 $0x2, s6  }
0x9: {  	s6 =	sshll.u32 s6, $0x13;
	s31 =	sshll.u32 s4, $0xF;
	s8 =	sshrl.u32 s7, $0x1  }
0xa: {  	[smem:$0x7FF] =	sst s3;
	s6 =	sor.u32 s31, s6;
	s7 =	ssub.s32 s7, s8  }
0xb: {  	v1 =	vimm.s32 $0xFFFFFFFF;
	_ =	strace $0x80000047;
	s8 =	simm.s32 $0x3;
	v0 =	vmov s6;
	s7 =	smax.u32 s7, $0x1  }
.LBB2_12:
0xc: {  	[sflag:s14] =	ssyncadd.s32 $0xFFFFC000  }
.LBB2_13:
0xd: {  	s3 =	sadd.s32 $0x1, s3  }
0xe: {  	p0 =	sne.s32 s3, s7  }
.Ltmp1:
0xf: {  	_ = 	snop;
	(pc) =	sbr.rel @!p0 .LBB2_14-.Ltmp1, $1  }
0x10: {  	_ =	sdelay $0x3  }
.LBB2_1:
0x11: {  	s15 =	simm.s32 $0x40;
	s16 =	simm.s32 $0x0  }
.LBB2_2:
0x12: {  	p0 =	sne.s32 s15, $0x1FFC0;
	[tilespmem:s16+$0x1000] =	vst v1;
	s16 =	smov.u32 s15;
	s15 =	sadd.s32 $0x40, s15  }
.Ltmp2:
0x13: {  	(pc) =	sbr.rel @p0 .LBB2_2-.Ltmp2, $2  }
0x14: {  	_ =	sdelay $0x2  }
0x15: {  	s16 =	sshra.s32 s16, $0x2  }
0x16: {  	[tilespmem:s16+$0x1000] =	vst v1;
	s15 =	simm.s32 $0x0;
	s16 =	simm.s32 $0x0;
	s17 =	simm.s32 $0x0  }
.LBB2_4:
0x17: {  	s18 =	sshll.u32 s17, $0x9  }
0x18: {  	s18 =	sadd.s32 s1, s18  }
0x19: {  	[tilespmem:s15], [sflag:$0x3] =	stream.linear.gather [hbm4b:s18+s15], $0x1000, $0x38;
	[tilespmem:$0x1D200] =	vst v63  }
0x1a: {  	_ =	swait.ge [sflag:s8], $0x1000  }
0x1b: {  	[sflag:s8] =	ssyncset.done $0x0  }
0x1c: {  	s30 =	simm.s32 $0x0;
	[sflag:s8] =	ssyncadd.s32 $0xFFFFF000  }
0x1d: {  	v2 =	vld [tilespmem:s30+$0x0];
	_ =	sdelay $0x4  }
0x1e: {  	v2 =	vsub.s32 v2, v0  }
0x1f: {  	vm0 =	vlt.u32 v2, $0x8000  }
0x20: {  	v3 =	vmpcnt.ones.xlane vm0;
	_ =	sdelay $0x1  }
0x21: {  	(v2sf) =	vpush v3, $0x0;
	_ =	sdelay $0xe  }
0x22: {  	s31 =	spop (v2sf)  }
0x23: {  	p0 =	slt.s32 s31, $0x1  }
0x24: {  	v3 =	vlaneseq.u32 @!p0  }
0x25: {  	v4 =	vshll.u32 @!p0 v2, $0x10;
	v3 =	vor.u32 @!p0 s16, v3  }
0x26: {  	vm0 =	vlt.u32 @!p0 v2, $0x8000;
	v2 =	vadd.s32 @!p0 v3, v4  }
0x27: {  	v4 =	vimm.s32 @!p0 $0x8000000E;
	v2 =	vnsel @!p0 vm0, $0xFFFFFFFF, v2;
	vm0 =	vcmask @!p0 $0x300  }
0x28: {  	v4 =	vsel @!p0 vm0, $0x8000000F, v4;
	vm0 =	vcmask @!p0 $0x704;
	(xrf1) =	vsort.ascd.msk.u32 @!p0 $0xffff, v2, v3  }
0x29: {  	v2 =	vsel @!p0 vm0, $0x80000000, v4;
	vm0 =	vcmask @!p0 $0xB08  }
0x2a: {  	v2 =	vsel @!p0 vm0, $0x80000001, v2;
	vm0 =	vcmask @!p0 $0xF0C  }
0x2b: {  	v2 =	vsel @!p0 vm0, $0x80000002, v2;
	vm0 =	vcmask @!p0 $0x1310  }
0x2c: {  	v2 =	vsel @!p0 vm0, $0x80000003, v2;
	vm0 =	vcmask @!p0 $0x1714  }
0x2d: {  	v2 =	vsel @!p0 vm0, $0x80000004, v2;
	vm0 =	vcmask @!p0 $0x1B18  }
0x2e: {  	v2 =	vsel @!p0 vm0, $0x80000005, v2;
	vm0 =	vcmask @!p0 $0x1F1C  }
0x2f: {  	v2 =	vsel @!p0 vm0, $0x80000006, v2;
	vm0 =	vcmask @!p0 $0x2320  }
0x30: {  	v2 =	vsel @!p0 vm0, $0x80000007, v2;
	vm0 =	vcmask @!p0 $0x2724  }
0x31: {  	v2 =	vsel @!p0 vm0, $0x80000008, v2;
	vm0 =	vcmask @!p0 $0x2B28  }
0x32: {  	v2 =	vsel @!p0 vm0, $0x80000009, v2;
	vm0 =	vcmask @!p0 $0x2F2C  }
0x33: {  	v2 =	vsel @!p0 vm0, $0x8000000A, v2;
	vm0 =	vcmask @!p0 $0x3330  }
0x34: {  	v2 =	vsel @!p0 vm0, $0x8000000B, v2;
	vm0 =	vcmask @!p0 $0x3734  }
0x35: {  	v2 =	vsel @!p0 vm0, $0x8000000C, v2;
	vm0 =	vcmask @!p0 $0x3B38  }
0x36: {  	v2 =	vsel @!p0 vm0, $0x8000000D, v2;
	v3, _, _ =	vpop @!p0 (xrf1)  }
0x37: {  	(xrf1) =	vsort.ascd.msk.u32 @!p0 $0xffff, v2, v3;
	_ =	sdelay $0xd  }
0x38: {  	_, v4, _ =	vpop @!p0 (xrf1)  }
0x39: {  	v2 =	vshrl.u32 @!p0 v3, $0x10;
	v4 =	vshrl.u32 @!p0 v4, $0x10  }
0x3a: {  	vm1 =	vcmask @!p0 $0x3F3C;
	vm0 =	vne.s32 @!p0 v2, v4  }
0x3b: {  	vm2 =	vne.s32 @!p0 v3, $0xFFFFFFFF;
	vm0 =	vmor @!p0 vm0, vm1  }
0x3c: {  	vm0 =	vmand @!p0 vm2, vm0;
	_ =	sdelay $0x4  }
0x3d: {  	s19 =	smov.u32 s16;
	s18 =	simm.s32 $0x40;
	s20 =	simm.s32 @!p0 $0x1000;
	v3 =	vand.u32 @!p0 $0xFFFF, v3  }
.LBB2_5:
0x3e: {  	s21 =	sshra.s32 s18, $0x2;
	s18 =	sadd.s32 $0x40, s18;
	[tilespmem:v2+s20+$0x0] =	vst.idx.msk @!p0 vm0, v3  }
0x3f: {  	v2 =	vld [tilespmem:s21+$0x0];
	p1 =	sne.s32 s18, $0x4000;
	_ =	sdelay $0x4  }
0x40: {  	v2 =	vsub.s32 v2, v0  }
0x41: {  	vm0 =	vlt.u32 v2, $0x8000  }
0x42: {  	v3 =	vmpcnt.ones.xlane vm0;
	_ =	sdelay $0x1  }
0x43: {  	(v2sf) =	vpush v3, $0x0;
	_ =	sdelay $0xe  }
0x44: {  	s20 =	spop (v2sf)  }
0x45: {  	p0 =	slt.s32 s20, $0x1  }
0x46: {  	s19 =	sadd.s32 $0x10, s19;
	v3 =	vlaneseq.u32 @!p0  }
0x47: {  	v4 =	vshll.u32 @!p0 v2, $0x10;
	v3 =	vor.u32 @!p0 s19, v3  }
0x48: {  	vm0 =	vlt.u32 @!p0 v2, $0x8000;
	v2 =	vadd.s32 @!p0 v3, v4  }
0x49: {  	v4 =	vimm.s32 @!p0 $0x8000000E;
	v2 =	vnsel @!p0 vm0, $0xFFFFFFFF, v2;
	vm0 =	vcmask @!p0 $0x300  }
0x4a: {  	v4 =	vsel @!p0 vm0, $0x8000000F, v4;
	vm0 =	vcmask @!p0 $0x704;
	(xrf1) =	vsort.ascd.msk.u32 @!p0 $0xffff, v2, v3  }
0x4b: {  	v2 =	vsel @!p0 vm0, $0x80000000, v4;
	vm0 =	vcmask @!p0 $0xB08  }
0x4c: {  	v2 =	vsel @!p0 vm0, $0x80000001, v2;
	vm0 =	vcmask @!p0 $0xF0C  }
0x4d: {  	v2 =	vsel @!p0 vm0, $0x80000002, v2;
	vm0 =	vcmask @!p0 $0x1310  }
0x4e: {  	v2 =	vsel @!p0 vm0, $0x80000003, v2;
	vm0 =	vcmask @!p0 $0x1714  }
0x4f: {  	v2 =	vsel @!p0 vm0, $0x80000004, v2;
	vm0 =	vcmask @!p0 $0x1B18  }
0x50: {  	v2 =	vsel @!p0 vm0, $0x80000005, v2;
	vm0 =	vcmask @!p0 $0x1F1C  }
0x51: {  	v2 =	vsel @!p0 vm0, $0x80000006, v2;
	vm0 =	vcmask @!p0 $0x2320  }
0x52: {  	v2 =	vsel @!p0 vm0, $0x80000007, v2;
	vm0 =	vcmask @!p0 $0x2724  }
0x53: {  	v2 =	vsel @!p0 vm0, $0x80000008, v2;
	vm0 =	vcmask @!p0 $0x2B28  }
0x54: {  	v2 =	vsel @!p0 vm0, $0x80000009, v2;
	vm0 =	vcmask @!p0 $0x2F2C  }
0x55: {  	v2 =	vsel @!p0 vm0, $0x8000000A, v2;
	vm0 =	vcmask @!p0 $0x3330  }
0x56: {  	v2 =	vsel @!p0 vm0, $0x8000000B, v2;
	vm0 =	vcmask @!p0 $0x3734  }
0x57: {  	v2 =	vsel @!p0 vm0, $0x8000000C, v2;
	vm0 =	vcmask @!p0 $0x3B38  }
0x58: {  	v2 =	vsel @!p0 vm0, $0x8000000D, v2;
	v3, _, _ =	vpop @!p0 (xrf1)  }
0x59: {  	(xrf1) =	vsort.ascd.msk.u32 @!p0 $0xffff, v2, v3;
	_ =	sdelay $0xd  }
0x5a: {  	_, v4, _ =	vpop @!p0 (xrf1)  }
0x5b: {  	v2 =	vshrl.u32 @!p0 v3, $0x10;
	v4 =	vshrl.u32 @!p0 v4, $0x10  }
0x5c: {  	vm1 =	vcmask @!p0 $0x3F3C;
	vm0 =	vne.s32 @!p0 v2, v4  }
0x5d: {  	vm2 =	vne.s32 @!p0 v3, $0xFFFFFFFF;
	vm0 =	vmor @!p0 vm0, vm1  }
0x5e: {  	vm0 =	vmand @!p0 vm2, vm0  }
.Ltmp3:
0x5f: {  	(pc) =	sbr.rel @p1 .LBB2_5-.Ltmp3, $2  }
0x60: {  	_ =	sdelay $0x2  }
0x61: {  	s20 =	simm.s32 @!p0 $0x1000;
	v3 =	vand.u32 @!p0 $0xFFFF, v3  }
0x62: {  	s17 =	sadd.s32 $0x1, s17  }
0x63: {  	p1 =	sne.s32 s17, $0x10  }
.Ltmp4:
0x64: {  	_ = 	snop;
	(pc) =	sbr.rel @p1 .LBB2_4-.Ltmp4, $2  }
0x65: {  	_ =	sdelay $0x2  }
0x66: {  	[tilespmem:v2+s20+$0x0] =	vst.idx.msk @!p0 vm0, v3;
	s16 =	sadd.s32 $0x1000, s16  }
0x67: {  	s15 =	simm.s32 $0x0  }
0x68: {  	v2 =	vld [tilespmem:s15+$0x1000];
	_ =	sdelay $0x4  }
0x69: {  	vm0 =	vgt.s32 v2, $0xFFFFFFFF  }
0x6a: {  	v3 =	vmpcnt.ones.xlane vm0;
	_ =	sdelay $0x1  }
0x6b: {  	(v2sf) =	vpush v3, $0x0;
	_ =	sdelay $0xe  }
0x6c: {  	s31 =	spop (v2sf)  }
0x6d: {  	p1 =	slt.s32 s31, $0x1  }
0x6e: {  	v3 =	vlaneseq.u32 @!p1  }
0x6f: {  	s16 =	simm.s32 $0x0;
	vm0 =	vgt.s32 @!p1 v2, $0xFFFFFFFF;
	v3 =	vor.u32 @!p1 s6, v3  }
0x70: {  	s17 =	simm.s32 $0x40;
	s18 =	smov.u32 s6;
	s15 =	sadd.s32 $0x0, s31;
	[tilespmem:s16+$0x9000] =	vst.msk @!p1 vm0, v3  }
.LBB2_8:
0x71: {  	s19 =	sshra.s32 s17, $0x2;
	[tilespmem:s16+$0x11080] =	vst.msk @!p1 vm0, v2;
	s16 =	smov.u32 s15  }
0x72: {  	s17 =	sadd.s32 $0x40, s17;
	v2 =	vld [tilespmem:s19+$0x1000]  }
0x73: {  	p0 =	sne.s32 s17, $0x20000;
	_ =	sdelay $0x3  }
0x74: {  	vm0 =	vgt.s32 v2, $0xFFFFFFFF  }
0x75: {  	v3 =	vmpcnt.ones.xlane vm0;
	_ =	sdelay $0x1  }
0x76: {  	(v2sf) =	vpush v3, $0x0;
	_ =	sdelay $0xe  }
.Ltmp5:
0x77: {  	s19 =	spop (v2sf);
	(pc) =	sbr.rel @p0 .LBB2_8-.Ltmp5, $4  }
0x78: {  	p1 =	slt.s32 s19, $0x1;
	s15 =	sadd.s32 s15, s19  }
0x79: {  	s18 =	sadd.s32 $0x10, s18;
	v3 =	vlaneseq.u32 @!p1  }
0x7a: {  	vm0 =	vgt.s32 @!p1 v2, $0xFFFFFFFF;
	v3 =	vor.u32 @!p1 s18, v3  }
0x7b: {  	[tilespmem:s16+$0x9000] =	vst.msk @!p1 vm0, v3  }
0x7c: {  	[tilespmem:s16+$0x11080] =	vst.msk @!p1 vm0, v2;
	p0 =	slt.s32 s15, $0x1  }
0x7d: {  	v2 =	vld.msk @!p0 [tilespmem:$0x9000 ss:$0x0], $0xffff  }
0x7e: {  	v3 =	vld.msk @!p0 [tilespmem:$0x11080 ss:$0x0], $0xffff;
	_ =	sdelay $0x3  }
0x7f: {  	[tilespmem:s15+$0x9000] =	vst @!p0 v2  }
0x80: {  	s16 =	sadd.s32 @!p0 $0x7F, s15;
	[tilespmem:s15+$0x11080] =	vst @!p0 v3  }
0x81: {  	s17 =	sand.u32 @!p0 $0x7F, s16;
	[tilespmem:s15+$0x9010] =	vst @!p0 v2  }
0x82: {  	p1 =	slt.s32 @!p0 s16, $0x0;
	p2 =	sne.s32 @!p0 s17, $0x0;
	[tilespmem:s15+$0x11090] =	vst @!p0 v3  }
0x83: {  	s17 =	sshra.s32 @!p0 s16, $0x1F;
	p1 =	por @!p0 !p1, !p2;
	[tilespmem:s15+$0x9020] =	vst @!p0 v2  }
0x84: {  	s17 =	sshrl.u32 @!p0 s17, $0x19;
	p1 =	por @!p0 !p1, !p1;
	[tilespmem:s15+$0x110A0] =	vst @!p0 v3  }
0x85: {  	s16 =	sadd.s32 @!p0 s17, s16;
	s17 =	simm.s32 @!p0 $0x1;
	[tilespmem:s15+$0x9030] =	vst @!p0 v2;
	p1 =	por !p1, p0  }
0x86: {  	[tilespmem:s15+$0x110B0] =	vst @!p0 v3;
	s16 =	sshra.s32 @!p0 s16, $0x7;
	s17 =	simm.s32 @p1 $0x0  }
0x87: {  	[tilespmem:s15+$0x9040] =	vst @!p0 v2;
	s17 =	ssub.s32 @!p0 s16, s17  }
0x88: {  	[tilespmem:s15+$0x110C0] =	vst @!p0 v3;
	p1 =	slt.s32 @!p0 s17, $0x1  }
0x89: {  	[tilespmem:s15+$0x9050] =	vst @!p0 v2;
	p1 =	por p0, p1  }
.Ltmp6:
0x8a: {  	[tilespmem:s15+$0x110D0] =	vst @!p0 v3;
	(pc) =	sbr.rel @p1 .LBB2_13-.Ltmp6, $4  }
0x8b: {  	[tilespmem:s15+$0x9060] =	vst @!p0 v2  }
0x8c: {  	[tilespmem:s15+$0x110E0] =	vst @!p0 v3  }
0x8d: {  	[tilespmem:s15+$0x9070] =	vst @!p0 v2  }
0x8e: {  	[tilespmem:s15+$0x110F0] =	vst @!p0 v3  }
0x8f: {  	s15 =	simm.s32 @!p0 $0x9040  }
0x90: {  	v2 =	vld [tilespmem:s15+$0xFFFFFFC0];
	_ =	sdelay $0x4  }
0x91: {  	s16 =	simm.s32 @!p0 $0x110C0;
	[tilespmem:$0x19100] =	vst v2  }
0x92: {  	v2 =	vld [tilespmem:s16+$0xFFFFFFC0];
	_ =	sdelay $0x4  }
0x93: {  	[tilespmem:$0x19180] =	vst v2  }
0x94: {  	v2 =	vld [tilespmem:s15+$0xFFFFFFD0];
	_ =	sdelay $0x4  }
0x95: {  	[tilespmem:$0x19110] =	vst v2  }
0x96: {  	v2 =	vld [tilespmem:s16+$0xFFFFFFD0];
	_ =	sdelay $0x4  }
0x97: {  	[tilespmem:$0x19190] =	vst v2  }
0x98: {  	v2 =	vld [tilespmem:s15+$0xFFFFFFE0];
	_ =	sdelay $0x4  }
0x99: {  	[tilespmem:$0x19120] =	vst v2  }
0x9a: {  	v2 =	vld [tilespmem:s16+$0xFFFFFFE0];
	_ =	sdelay $0x4  }
0x9b: {  	[tilespmem:$0x191A0] =	vst v2  }
0x9c: {  	v2 =	vld [tilespmem:s15+$0xFFFFFFF0];
	_ =	sdelay $0x4  }
0x9d: {  	[tilespmem:$0x19130] =	vst v2  }
0x9e: {  	v2 =	vld [tilespmem:s16+$0xFFFFFFF0];
	_ =	sdelay $0x4  }
0x9f: {  	[tilespmem:$0x191B0] =	vst v2  }
0xa0: {  	v2 =	vld [tilespmem:s15+$0x0];
	_ =	sdelay $0x4  }
0xa1: {  	[tilespmem:$0x19140] =	vst v2  }
0xa2: {  	v2 =	vld [tilespmem:s16+$0x0];
	_ =	sdelay $0x4  }
0xa3: {  	[tilespmem:$0x191C0] =	vst v2  }
0xa4: {  	v2 =	vld [tilespmem:s15+$0x10];
	_ =	sdelay $0x4  }
0xa5: {  	[tilespmem:$0x19150] =	vst v2  }
0xa6: {  	v2 =	vld [tilespmem:s16+$0x10];
	_ =	sdelay $0x4  }
0xa7: {  	[tilespmem:$0x191D0] =	vst v2  }
0xa8: {  	v2 =	vld [tilespmem:s15+$0x20];
	_ =	sdelay $0x4  }
0xa9: {  	[tilespmem:$0x19160] =	vst v2  }
0xaa: {  	v2 =	vld [tilespmem:s16+$0x20];
	_ =	sdelay $0x4  }
0xab: {  	[tilespmem:$0x191E0] =	vst v2  }
0xac: {  	v2 =	vld [tilespmem:s15+$0x30];
	_ =	sdelay $0x4  }
0xad: {  	[tilespmem:$0x19170] =	vst v2  }
0xae: {  	v2 =	vld [tilespmem:s16+$0x30];
	_ =	sdelay $0x4  }
0xaf: {  	[tilespmem:$0x191F0] =	vst v2  }
0xb0: {  	[tilespmem:s11], [sflag:$0x1] =	stream.indirect.gather [hbm4b:s2+s9], $0x80, s10, s9, $0xb8;
	[tilespmem:$0x1D200] =	vst v63  }
0xb1: {  	p0 =	sne.s32 s17, $0x1;
	_ =	swait.ge [sflag:s12], $0x4000  }
.Ltmp7:
0xb2: {  	[sflag:s12] =	ssyncset.done $0x0;
	(pc) =	sbr.rel @!p0 .LBB2_12-.Ltmp7, $4  }
0xb3: {  	[sflag:s12] =	ssyncadd.s32 $0xFFFFC000  }
0xb4: {  	[hbm4b:s5+s9] =	stream.indirect.scatter [tilespmem:s11], [sflag:$0x2], $0x80, s13, s9, $0xb8;
	[tilespmem:$0x1D200] =	vst v63  }
0xb5: {  	_ =	swait.ge [sflag:s14], $0x4000  }
0xb6: {  	s17 =	sadd.s32 $0xFFFFFFFF, s17;
	[sflag:s14] =	ssyncset.done $0x0  }
.LBB2_11:
0xb7: {  	[sflag:s14] =	ssyncadd.s32 $0xFFFFC000;
	s15 =	sadd.s32 $0x80, s15;
	s16 =	sadd.s32 $0x80, s16  }
0xb8: {  	p0 =	sne.s32 s17, $0x1;
	s17 =	sadd.s32 $0xFFFFFFFF, s17;
	v2 =	vld [tilespmem:s15+$0xFFFFFFC0];
	_ =	sdelay $0x4  }
0xb9: {  	[tilespmem:$0x19100] =	vst v2  }
0xba: {  	v2 =	vld [tilespmem:s16+$0xFFFFFFC0];
	_ =	sdelay $0x4  }
0xbb: {  	[tilespmem:$0x19180] =	vst v2  }
0xbc: {  	v2 =	vld [tilespmem:s15+$0xFFFFFFD0];
	_ =	sdelay $0x4  }
0xbd: {  	[tilespmem:$0x19110] =	vst v2  }
0xbe: {  	v2 =	vld [tilespmem:s16+$0xFFFFFFD0];
	_ =	sdelay $0x4  }
0xbf: {  	[tilespmem:$0x19190] =	vst v2  }
0xc0: {  	v2 =	vld [tilespmem:s15+$0xFFFFFFE0];
	_ =	sdelay $0x4  }
0xc1: {  	[tilespmem:$0x19120] =	vst v2  }
0xc2: {  	v2 =	vld [tilespmem:s16+$0xFFFFFFE0];
	_ =	sdelay $0x4  }
0xc3: {  	[tilespmem:$0x191A0] =	vst v2  }
0xc4: {  	v2 =	vld [tilespmem:s15+$0xFFFFFFF0];
	_ =	sdelay $0x4  }
0xc5: {  	[tilespmem:$0x19130] =	vst v2  }
0xc6: {  	v2 =	vld [tilespmem:s16+$0xFFFFFFF0];
	_ =	sdelay $0x4  }
0xc7: {  	[tilespmem:$0x191B0] =	vst v2  }
0xc8: {  	v2 =	vld [tilespmem:s15+$0x0];
	_ =	sdelay $0x4  }
0xc9: {  	[tilespmem:$0x19140] =	vst v2  }
0xca: {  	v2 =	vld [tilespmem:s16+$0x0];
	_ =	sdelay $0x4  }
0xcb: {  	[tilespmem:$0x191C0] =	vst v2  }
0xcc: {  	v2 =	vld [tilespmem:s15+$0x10];
	_ =	sdelay $0x4  }
0xcd: {  	[tilespmem:$0x19150] =	vst v2  }
0xce: {  	v2 =	vld [tilespmem:s16+$0x10];
	_ =	sdelay $0x4  }
0xcf: {  	[tilespmem:$0x191D0] =	vst v2  }
0xd0: {  	v2 =	vld [tilespmem:s15+$0x20];
	_ =	sdelay $0x4  }
0xd1: {  	[tilespmem:$0x19160] =	vst v2  }
0xd2: {  	v2 =	vld [tilespmem:s16+$0x20];
	_ =	sdelay $0x4  }
0xd3: {  	[tilespmem:$0x191E0] =	vst v2  }
0xd4: {  	v2 =	vld [tilespmem:s15+$0x30];
	_ =	sdelay $0x4  }
0xd5: {  	[tilespmem:$0x19170] =	vst v2  }
0xd6: {  	v2 =	vld [tilespmem:s16+$0x30];
	_ =	sdelay $0x4  }
0xd7: {  	[tilespmem:$0x191F0] =	vst v2  }
0xd8: {  	[tilespmem:s11], [sflag:$0x1] =	stream.indirect.gather [hbm4b:s2+s9], $0x80, s10, s9, $0xb8;
	[tilespmem:$0x1D200] =	vst v63  }
0xd9: {  	_ =	swait.ge [sflag:s12], $0x4000  }
.Ltmp8:
0xda: {  	[sflag:s12] =	ssyncset.done $0x0;
	(pc) =	sbr.rel @p0 .LBB2_11-.Ltmp8, $4  }
0xdb: {  	[sflag:s12] =	ssyncadd.s32 $0xFFFFC000  }
0xdc: {  	[hbm4b:s5+s9] =	stream.indirect.scatter [tilespmem:s11], [sflag:$0x2], $0x80, s13, s9, $0xb8;
	[tilespmem:$0x1D200] =	vst v63  }
0xdd: {  	_ =	swait.ge [sflag:s14], $0x4000  }
0xde: {  	[sflag:s14] =	ssyncset.done $0x0  }
.Ltmp9:
0xdf: {  	_ = 	snop;
	(pc) =	sbr.rel .LBB2_12-.Ltmp9, $1  }
0xe0: {  	_ =	sdelay $0x3  }
.LBB2_14:
0xe1: {  	_ =	sfence.sel $0x180000  }
0xe2: {  	[bflag:$0x0] =	sbarrier.arrive $0xFFFF  }
0xe3: {  	p0 =	sne.s32 s4, $0x0;
	_ =	strace $0x90000047  }
0xe4: {  	s0 =	sadd.s32 @!p0 $0x100000, s0;
	[bflag:$0x2] =	sbarrier.arrive $0xFFFF  }
0xe5: {  	[sflag:s0] =	ssyncadd.tile.s32 @!p0 $0x1;
	_ =	shalt  }
.Lfunc_end2:
_tile_overlayer_lowered:
.L_overlay_start_2:
0xe6: {  	(tag) =	ssettag $0x2  }
0xe7: {  	s0 =	rddreg [dreg:$0x0];
	s2 =	stileid.u32  }
0xe8: {  	s1 =	rddreg [dreg:$0x1];
	p0 =	sne.s32 s2, $0x0  }
0xe9: {  	s3 =	rddreg [dreg:$0x2];
	[bflag:$0x3] =	sbarrier.arrive $0xFFFF;
	s2 =	simm.s32 @!p0 $0x1C03  }
0xea: {  	[timem:s3], [sflag:s2] =	dma.local @!p0 [hbm:s0], s1  }
0xeb: {  	s0 =	simm.s32 @!p0 $0x3  }
0xec: {  	_ =	swait.ge @!p0 [sflag:s0], s1  }
0xed: {  	s1 =	ssub.s32 @!p0 $0x0, s1;
	[sflag:s0] =	ssyncset.done @!p0 $0x0  }
0xee: {  	[sflag:s0] =	ssyncadd.s32 @!p0 s1  }
0xef: {  	[bflag:$0x3] =	sbarrier.arrive $0xFFFF  }
0xf0: {  	_ =	shalt  }

</sc_bundles>
